<compile_context>
chip_gen: v7x
topology: tpu7x:2x2x1
jax: 0.10.2.dev20260603
libtpu: 0.0.44.dev20260713+nightly
codegen_flags: <defaults>
</compile_context>

<pallas_src>
import functools

import jax
import jax.numpy as jnp
from jax import lax
from jax.experimental import pallas as pl
from jax.experimental.pallas import tpu as pltpu
from jax.experimental.pallas import tpu_sc as plsc

_INV_T = 10.0
_NEG_INIT = -1e30


def _sc_rowstats(neg, row_off, n_sc, chunk, unroll):
    _, m = neg.shape
    info = plsc.get_sparse_core_info()
    ncores, nsub, lanes = info.num_cores, info.num_subcores, info.num_lanes
    nw = ncores * nsub
    rows_w = n_sc // nw
    assert rows_w * nw == n_sc and m // chunk == 2 and m % chunk == 0
    nacc = 8

    mesh = plsc.VectorSubcoreMesh(core_axis_name="c", subcore_axis_name="s")

    @functools.partial(
        pl.kernel,
        mesh=mesh,
        out_type=(
            jax.ShapeDtypeStruct((n_sc, lanes), jnp.float32),
            jax.ShapeDtypeStruct((n_sc, lanes), jnp.float32),
        ),
        scratch_types=[
            pltpu.VMEM((chunk,), jnp.float32),
            pltpu.VMEM((chunk,), jnp.float32),
            pltpu.VMEM((rows_w, lanes), jnp.float32),
            pltpu.VMEM((rows_w, lanes), jnp.float32),
            pltpu.SemaphoreType.DMA,
            pltpu.SemaphoreType.DMA,
        ],
    )
    def k(neg_hbm, mv_hbm, sv_hbm, buf0, buf1, mrow, srow, sem0, sem1):
        wid = lax.axis_index("s") * ncores + lax.axis_index("c")
        base = row_off + wid * rows_w

        def process(buf, mv, sv):
            @plsc.parallel_loop(
                0, chunk, step=unroll * lanes,
                carry=tuple(
                    jnp.full((lanes,), _NEG_INIT, jnp.float32) for _ in range(nacc)
                ),
            )
            def max_loop(off, cms):
                cms = list(cms)
                for u in range(unroll):
                    x = buf[pl.ds(off + u * lanes, lanes)]
                    cms[u % nacc] = jnp.maximum(cms[u % nacc], x)
                return tuple(cms)

            cm = max_loop[0]
            for a in range(1, nacc):
                cm = jnp.maximum(cm, max_loop[a])
            m_new = jnp.maximum(mv, cm * _INV_T)

            @plsc.parallel_loop(
                0, chunk, step=unroll * lanes,
                carry=tuple(jnp.zeros((lanes,), jnp.float32) for _ in range(nacc)),
            )
            def sum_loop(off, accs):
                accs = list(accs)
                for u in range(unroll):
                    x = buf[pl.ds(off + u * lanes, lanes)]
                    accs[u % nacc] = accs[u % nacc] + jnp.exp(x * _INV_T - m_new)
                return tuple(accs)

            se = sum_loop[0]
            for a in range(1, nacc):
                se = se + sum_loop[a]
            sv = sv * jnp.exp(mv - m_new) + se
            return m_new, sv

        pltpu.make_async_copy(
            neg_hbm.at[base, pl.ds(0, chunk)], buf0, sem0
        ).start()

        def row_body(r, carry):
            row = base + r
            pltpu.make_async_copy(
                neg_hbm.at[row, pl.ds(0, chunk)], buf0, sem0
            ).wait()
            pltpu.make_async_copy(
                neg_hbm.at[row, pl.ds(chunk, chunk)], buf1, sem1
            ).start()
            mv0 = jnp.full((lanes,), _NEG_INIT, jnp.float32)
            sv0 = jnp.zeros((lanes,), jnp.float32)
            mv, sv = process(buf0, mv0, sv0)
            pltpu.make_async_copy(
                neg_hbm.at[row, pl.ds(chunk, chunk)], buf1, sem1
            ).wait()

            @pl.when(r + 1 < rows_w)
            def _():
                pltpu.make_async_copy(
                    neg_hbm.at[row + 1, pl.ds(0, chunk)], buf0, sem0
                ).start()

            mv, sv = process(buf1, mv, sv)
            mrow[r, :] = mv
            srow[r, :] = sv
            return carry

        lax.fori_loop(0, rows_w, row_body, 0)
        pltpu.sync_copy(mrow, mv_hbm.at[pl.ds(wid * rows_w, rows_w)])
        pltpu.sync_copy(srow, sv_hbm.at[pl.ds(wid * rows_w, rows_w)])

    return k(neg)


def _tc_partial_kernel(pos_ref, neg_ref, out_ref, m_ref, s_ref, acc_ref, *, nr, nc):
    ri = pl.program_id(0)
    ci = pl.program_id(1)

    @pl.when(jnp.logical_and(ri == 0, ci == 0))
    def _():
        acc_ref[0, 0] = 0.0

    p = pos_ref[:, :] * _INV_T

    @pl.when(ci == 0)
    def _():
        m_ref[:, :] = p
        s_ref[:, :] = jnp.ones_like(p)

    blk = neg_ref[:, :] * _INV_T
    bm = jnp.max(blk, axis=1, keepdims=True)
    m_old = m_ref[:, :]
    m_new = jnp.maximum(m_old, bm)
    s_ref[:, :] = s_ref[:, :] * jnp.exp(m_old - m_new) + jnp.sum(
        jnp.exp(blk - m_new), axis=1, keepdims=True
    )
    m_ref[:, :] = m_new

    @pl.when(ci == nc - 1)
    def _():
        lse = m_ref[:, :] + jnp.log(s_ref[:, :])
        acc_ref[0, 0] += jnp.sum(lse - p)

        @pl.when(ri == nr - 1)
        def _():
            out_ref[:, :] = jnp.full((1, 1), acc_ref[0, 0], jnp.float32)


def _tc_partial(pos, neg, n_tc, br, bc):
    _, m = neg.shape
    nr = n_tc // br
    nc = m // bc
    return pl.pallas_call(
        functools.partial(_tc_partial_kernel, nr=nr, nc=nc),
        grid=(nr, nc),
        in_specs=[
            pl.BlockSpec((br, 1), lambda ri, ci: (ri, 0)),
            pl.BlockSpec((br, bc), lambda ri, ci: (ri, ci)),
        ],
        out_specs=pl.BlockSpec((1, 1), lambda ri, ci: (0, 0)),
        out_shape=jax.ShapeDtypeStruct((1, 1), jnp.float32),
        scratch_shapes=[
            pltpu.VMEM((br, 1), jnp.float32),
            pltpu.VMEM((br, 1), jnp.float32),
            pltpu.SMEM((1, 1), jnp.float32),
        ],
        compiler_params=pltpu.CompilerParams(
            dimension_semantics=("arbitrary", "arbitrary"),
        ),
    )(pos, neg)


def _finish_kernel(pos_ref, mv_ref, sv_ref, tcp_ref, out_ref, *, n_total):
    p = pos_ref[:, :] * _INV_T
    mv = mv_ref[:, :]
    sv = sv_ref[:, :]
    mt = jnp.maximum(jnp.max(mv, axis=1, keepdims=True), p)
    s = jnp.sum(sv * jnp.exp(mv - mt), axis=1, keepdims=True) + jnp.exp(p - mt)
    lse = mt + jnp.log(s)
    total = jnp.sum(lse - p) + tcp_ref[0, 0]
    out_ref[:, :] = jnp.full((1, 1), total / n_total, jnp.float32)


def kernel(pos, neg):
    n, m = neg.shape
    n_tc = 2560
    n_sc = n - n_tc
    mv, sv = _sc_rowstats(neg, n_tc, n_sc, chunk=m // 2, unroll=32)
    tcp = _tc_partial(pos, neg, n_tc, br=256, bc=4096)
    out = pl.pallas_call(
        functools.partial(_finish_kernel, n_total=n),
        out_shape=jax.ShapeDtypeStruct((1, 1), jnp.float32),
    )(pos[n_tc:], mv, sv, tcp)
    return out[0, 0]

# --- scband reference (transcript-rebuilt; emitter-appended) ---
"""Pipeline reference for scband-contrastive-head-46488726012441 (READ-ONLY COPY).

The authoritative reference and input builder live on the scoring server;
editing this copy changes nothing except your own understanding.
"""

import jax, jax.numpy as jnp
import numpy as np

TEMPERATURE = 0.1


def setup_inputs(seed: int = 0) -> dict:
    key = jax.random.key(seed)
    k1, k2 = jax.random.split(key)
    pos = jax.random.normal(k1, (4096, 1), dtype=jnp.float32)
    neg = jax.random.normal(k2, (4096, 65536), dtype=jnp.float32)
    return {"pos": pos, "neg": neg}


def reference(pos, neg):
    # logits = cat([pos, neg], dim=1) / temperature
    logits = jnp.concatenate([pos, neg], axis=1) / TEMPERATURE
    # cross-entropy with labels all zero (positive is index 0), mean reduction
    lse = jax.nn.logsumexp(logits, axis=1)
    loss = jnp.mean(lse - logits[:, 0])
    return loss

if __name__ == "__main__":
    import jax
    _d = setup_inputs()
    print(jax.jit(kernel)(*tuple(_d.values())))

</pallas_src>

<mosaic_0001>
#map = affine_map<(d0, d1) -> (0, 0)>
module attributes {stable_mosaic.version = 14 : i64} {
  func.func @k(%arg0: i32, %arg1: i32, %arg2: memref<4096x65536xf32, #tpu.memory_space<hbm>>, %arg3: memref<1536x16xf32, #tpu.memory_space<hbm>>, %arg4: memref<1536x16xf32, #tpu.memory_space<hbm>>, %arg5: memref<32768xf32, #tpu.memory_space<vmem>>, %arg6: memref<32768xf32, #tpu.memory_space<vmem>>, %arg7: memref<48x16xf32, #tpu.memory_space<vmem>>, %arg8: memref<48x16xf32, #tpu.memory_space<vmem>>, %arg9: memref<!tpu.dma_semaphore, #tpu.memory_space<semaphore_mem>>, %arg10: memref<!tpu.dma_semaphore, #tpu.memory_space<semaphore_mem>>) attributes {dimension_semantics = [#tpu.dimension_semantics<core_parallel>, #tpu.dimension_semantics<subcore_parallel>], iteration_bounds = array<i64: 2, 16>, scalar_prefetch = 0 : i64, scratch_operands = 6 : i64, tpu.core_type = #tpu.core_type<sc_vector_subcore>, window_params = [{transform_indices = #map}, {transform_indices = #map}, {transform_indices = #map}]} {
    %mul3A = arith.constant 2 : i32
    %mul3A_0 = arith.muli %arg1, %mul3A : i32
    %add3A = arith.addi %mul3A_0, %arg0 : i32
    %mul3A_1 = arith.constant 48 : i32
    %mul3A_2 = arith.muli %add3A, %mul3A_1 : i32
    %add3A_3 = arith.constant 2560 : i32
    %add3A_4 = arith.addi %add3A_3, %mul3A_2 : i32
    %dma_start3A = arith.constant 0 : i32
    %dma_start3A_5 = tpu.memref_slice %arg2[%add3A_4, %dma_start3A] : memref<4096x65536xf32, #tpu.memory_space<hbm>> -> memref<1x32768xf32, #tpu.memory_space<hbm>>
    %dma_start3A_6 = tpu.memref_squeeze %dma_start3A_5 : memref<1x32768xf32, #tpu.memory_space<hbm>> -> memref<32768xf32, #tpu.memory_space<hbm>>
    %dma_start3A_7 = arith.constant 0 : i32
    %dma_start3A_8 = tpu.memref_slice %arg2[%add3A_4, %dma_start3A_7] : memref<4096x65536xf32, #tpu.memory_space<hbm>> -> memref<1x32768xf32, #tpu.memory_space<hbm>>
    %dma_start3A_9 = tpu.memref_squeeze %dma_start3A_8 : memref<1x32768xf32, #tpu.memory_space<hbm>> -> memref<32768xf32, #tpu.memory_space<hbm>>
    tpu.enqueue_dma source(%dma_start3A_9 : memref<32768xf32, #tpu.memory_space<hbm>>) target(%arg5 : memref<32768xf32, #tpu.memory_space<vmem>>) target_semaphore(%arg9 : memref<!tpu.dma_semaphore, #tpu.memory_space<semaphore_mem>>)
    %scan3A = arith.constant 0 : i32
    %scan3A_10 = arith.constant 0 : i32
    %scan3A_11 = arith.constant 48 : i32
    %scan3A_12 = arith.addi %scan3A_10, %scan3A_11 : i32
    %scan3A_13 = arith.constant 1 : i32
    scf.for %scan3A_19 = %scan3A_10 to %scan3A_12 step %scan3A_13  : i32 {
      %add3A_20 = arith.addi %add3A_4, %scan3A_19 : i32
      %dma_wait3A = arith.constant 0 : i32
      %dma_wait3A_21 = tpu.memref_slice %arg2[%add3A_20, %dma_wait3A] : memref<4096x65536xf32, #tpu.memory_space<hbm>> -> memref<1x32768xf32, #tpu.memory_space<hbm>>
      %dma_wait3A_22 = tpu.memref_squeeze %dma_wait3A_21 : memref<1x32768xf32, #tpu.memory_space<hbm>> -> memref<32768xf32, #tpu.memory_space<hbm>>
      %dma_wait3A_23 = arith.constant 0 : i32
      %dma_wait3A_24 = tpu.memref_slice %arg2[%add3A_20, %dma_wait3A_23] : memref<4096x65536xf32, #tpu.memory_space<hbm>> -> memref<1x32768xf32, #tpu.memory_space<hbm>>
      %dma_wait3A_25 = tpu.memref_squeeze %dma_wait3A_24 : memref<1x32768xf32, #tpu.memory_space<hbm>> -> memref<32768xf32, #tpu.memory_space<hbm>>
      tpu.wait_dma2 semaphore(%arg9 : memref<!tpu.dma_semaphore, #tpu.memory_space<semaphore_mem>>) src(%dma_wait3A_25 : memref<32768xf32, #tpu.memory_space<hbm>>) dst(%arg5 : memref<32768xf32, #tpu.memory_space<vmem>>)
      %dma_start3A_26 = arith.constant 32768 : i32
      %dma_start3A_27 = tpu.memref_slice %arg2[%add3A_20, %dma_start3A_26] : memref<4096x65536xf32, #tpu.memory_space<hbm>> -> memref<1x32768xf32, #tpu.memory_space<hbm>>
      %dma_start3A_28 = tpu.memref_squeeze %dma_start3A_27 : memref<1x32768xf32, #tpu.memory_space<hbm>> -> memref<32768xf32, #tpu.memory_space<hbm>>
      %dma_start3A_29 = arith.constant 32768 : i32
      %dma_start3A_30 = tpu.memref_slice %arg2[%add3A_20, %dma_start3A_29] : memref<4096x65536xf32, #tpu.memory_space<hbm>> -> memref<1x32768xf32, #tpu.memory_space<hbm>>
      %dma_start3A_31 = tpu.memref_squeeze %dma_start3A_30 : memref<1x32768xf32, #tpu.memory_space<hbm>> -> memref<32768xf32, #tpu.memory_space<hbm>>
      tpu.enqueue_dma source(%dma_start3A_31 : memref<32768xf32, #tpu.memory_space<hbm>>) target(%arg6 : memref<32768xf32, #tpu.memory_space<vmem>>) target_semaphore(%arg10 : memref<!tpu.dma_semaphore, #tpu.memory_space<semaphore_mem>>)
      %broadcast_in_dim3A = arith.constant -1.000000e+30 : f32
      %broadcast_in_dim3A_32 = vector.broadcast %broadcast_in_dim3A : f32 to vector<16xf32>
      %broadcast_in_dim3A_33 = arith.constant 0.000000e+00 : f32
      %broadcast_in_dim3A_34 = vector.broadcast %broadcast_in_dim3A_33 : f32 to vector<16xf32>
      %broadcast_in_dim3A_35 = arith.constant -1.000000e+30 : f32
      %broadcast_in_dim3A_36 = vector.broadcast %broadcast_in_dim3A_35 : f32 to vector<16xf32>
      %broadcast_in_dim3A_37 = arith.constant -1.000000e+30 : f32
      %broadcast_in_dim3A_38 = vector.broadcast %broadcast_in_dim3A_37 : f32 to vector<16xf32>
      %broadcast_in_dim3A_39 = arith.constant -1.000000e+30 : f32
      %broadcast_in_dim3A_40 = vector.broadcast %broadcast_in_dim3A_39 : f32 to vector<16xf32>
      %broadcast_in_dim3A_41 = arith.constant -1.000000e+30 : f32
      %broadcast_in_dim3A_42 = vector.broadcast %broadcast_in_dim3A_41 : f32 to vector<16xf32>
      %broadcast_in_dim3A_43 = arith.constant -1.000000e+30 : f32
      %broadcast_in_dim3A_44 = vector.broadcast %broadcast_in_dim3A_43 : f32 to vector<16xf32>
      %broadcast_in_dim3A_45 = arith.constant -1.000000e+30 : f32
      %broadcast_in_dim3A_46 = vector.broadcast %broadcast_in_dim3A_45 : f32 to vector<16xf32>
      %broadcast_in_dim3A_47 = arith.constant -1.000000e+30 : f32
      %broadcast_in_dim3A_48 = vector.broadcast %broadcast_in_dim3A_47 : f32 to vector<16xf32>
      %broadcast_in_dim3A_49 = arith.constant -1.000000e+30 : f32
      %broadcast_in_dim3A_50 = vector.broadcast %broadcast_in_dim3A_49 : f32 to vector<16xf32>
      %parallel_loop3A = arith.constant 0 : i32
      %parallel_loop3A_51 = arith.constant 32768 : i32
      %parallel_loop3A_52 = arith.constant 512 : i32
      %parallel_loop3A_53:8 = scf.for %parallel_loop3A_174 = %parallel_loop3A to %parallel_loop3A_51 step %parallel_loop3A_52 iter_args(%parallel_loop3A_175 = %broadcast_in_dim3A_36, %parallel_loop3A_176 = %broadcast_in_dim3A_38, %parallel_loop3A_177 = %broadcast_in_dim3A_40, %parallel_loop3A_178 = %broadcast_in_dim3A_42, %parallel_loop3A_179 = %broadcast_in_dim3A_44, %parallel_loop3A_180 = %broadcast_in_dim3A_46, %parallel_loop3A_181 = %broadcast_in_dim3A_48, %parallel_loop3A_182 = %broadcast_in_dim3A_50) -> (vector<16xf32>, vector<16xf32>, vector<16xf32>, vector<16xf32>, vector<16xf32>, vector<16xf32>, vector<16xf32>, vector<16xf32>)  : i32 {
        %parallel_loop3A_183 = arith.constant 0 : i32
        %parallel_loop3A_184 = arith.addi %parallel_loop3A_174, %parallel_loop3A_183 : i32
        %parallel_loop3A_185 = arith.index_cast %parallel_loop3A_184 : i32 to index
        %parallel_loop3A_186 = tpu.vector_load %arg5[%parallel_loop3A_185] {strides = array<i32>} : memref<32768xf32, #tpu.memory_space<vmem>>, vector<16xf32>,
        %parallel_loop3A_187 = vector.shape_cast %parallel_loop3A_186 : vector<16xf32> to vector<16xf32>
        %parallel_loop3A_188 = arith.maximumf %parallel_loop3A_175, %parallel_loop3A_187 : vector<16xf32>
        %parallel_loop3A_189 = arith.constant 16 : i32
        %parallel_loop3A_190 = arith.addi %parallel_loop3A_174, %parallel_loop3A_189 : i32
        %parallel_loop3A_191 = arith.index_cast %parallel_loop3A_190 : i32 to index
        %parallel_loop3A_192 = tpu.vector_load %arg5[%parallel_loop3A_191] {strides = array<i32>} : memref<32768xf32, #tpu.memory_space<vmem>>, vector<16xf32>,
        %parallel_loop3A_193 = vector.shape_cast %parallel_loop3A_192 : vector<16xf32> to vector<16xf32>
        %parallel_loop3A_194 = arith.maximumf %parallel_loop3A_176, %parallel_loop3A_193 : vector<16xf32>
        %parallel_loop3A_195 = arith.constant 32 : i32
        %parallel_loop3A_196 = arith.addi %parallel_loop3A_174, %parallel_loop3A_195 : i32
        %parallel_loop3A_197 = arith.index_cast %parallel_loop3A_196 : i32 to index
        %parallel_loop3A_198 = tpu.vector_load %arg5[%parallel_loop3A_197] {strides = array<i32>} : memref<32768xf32, #tpu.memory_space<vmem>>, vector<16xf32>,
        %parallel_loop3A_199 = vector.shape_cast %parallel_loop3A_198 : vector<16xf32> to vector<16xf32>
        %parallel_loop3A_200 = arith.maximumf %parallel_loop3A_177, %parallel_loop3A_199 : vector<16xf32>
        %parallel_loop3A_201 = arith.constant 48 : i32
        %parallel_loop3A_202 = arith.addi %parallel_loop3A_174, %parallel_loop3A_201 : i32
        %parallel_loop3A_203 = arith.index_cast %parallel_loop3A_202 : i32 to index
        %parallel_loop3A_204 = tpu.vector_load %arg5[%parallel_loop3A_203] {strides = array<i32>} : memref<32768xf32, #tpu.memory_space<vmem>>, vector<16xf32>,
        %parallel_loop3A_205 = vector.shape_cast %parallel_loop3A_204 : vector<16xf32> to vector<16xf32>
        %parallel_loop3A_206 = arith.maximumf %parallel_loop3A_178, %parallel_loop3A_205 : vector<16xf32>
        %parallel_loop3A_207 = arith.constant 64 : i32
        %parallel_loop3A_208 = arith.addi %parallel_loop3A_174, %parallel_loop3A_207 : i32
        %parallel_loop3A_209 = arith.index_cast %parallel_loop3A_208 : i32 to index
        %parallel_loop3A_210 = tpu.vector_load %arg5[%parallel_loop3A_209] {strides = array<i32>} : memref<32768xf32, #tpu.memory_space<vmem>>, vector<16xf32>,
        %parallel_loop3A_211 = vector.shape_cast %parallel_loop3A_210 : vector<16xf32> to vector<16xf32>
        %parallel_loop3A_212 = arith.maximumf %parallel_loop3A_179, %parallel_loop3A_211 : vector<16xf32>
        %parallel_loop3A_213 = arith.constant 80 : i32
        %parallel_loop3A_214 = arith.addi %parallel_loop3A_174, %parallel_loop3A_213 : i32
        %parallel_loop3A_215 = arith.index_cast %parallel_loop3A_214 : i32 to index
        %parallel_loop3A_216 = tpu.vector_load %arg5[%parallel_loop3A_215] {strides = array<i32>} : memref<32768xf32, #tpu.memory_space<vmem>>, vector<16xf32>,
        %parallel_loop3A_217 = vector.shape_cast %parallel_loop3A_216 : vector<16xf32> to vector<16xf32>
        %parallel_loop3A_218 = arith.maximumf %parallel_loop3A_180, %parallel_loop3A_217 : vector<16xf32>
        %parallel_loop3A_219 = arith.constant 96 : i32
        %parallel_loop3A_220 = arith.addi %parallel_loop3A_174, %parallel_loop3A_219 : i32
        %parallel_loop3A_221 = arith.index_cast %parallel_loop3A_220 : i32 to index
        %parallel_loop3A_222 = tpu.vector_load %arg5[%parallel_loop3A_221] {strides = array<i32>} : memref<32768xf32, #tpu.memory_space<vmem>>, vector<16xf32>,
        %parallel_loop3A_223 = vector.shape_cast %parallel_loop3A_222 : vector<16xf32> to vector<16xf32>
        %parallel_loop3A_224 = arith.maximumf %parallel_loop3A_181, %parallel_loop3A_223 : vector<16xf32>
        %parallel_loop3A_225 = arith.constant 112 : i32
        %parallel_loop3A_226 = arith.addi %parallel_loop3A_174, %parallel_loop3A_225 : i32
        %parallel_loop3A_227 = arith.index_cast %parallel_loop3A_226 : i32 to index
        %parallel_loop3A_228 = tpu.vector_load %arg5[%parallel_loop3A_227] {strides = array<i32>} : memref<32768xf32, #tpu.memory_space<vmem>>, vector<16xf32>,
        %parallel_loop3A_229 = vector.shape_cast %parallel_loop3A_228 : vector<16xf32> to vector<16xf32>
        %parallel_loop3A_230 = arith.maximumf %parallel_loop3A_182, %parallel_loop3A_229 : vector<16xf32>
        %parallel_loop3A_231 = arith.constant 128 : i32
        %parallel_loop3A_232 = arith.addi %parallel_loop3A_174, %parallel_loop3A_231 : i32
        %parallel_loop3A_233 = arith.index_cast %parallel_loop3A_232 : i32 to index
        %parallel_loop3A_234 = tpu.vector_load %arg5[%parallel_loop3A_233] {strides = array<i32>} : memref<32768xf32, #tpu.memory_space<vmem>>, vector<16xf32>,
        %parallel_loop3A_235 = vector.shape_cast %parallel_loop3A_234 : vector<16xf32> to vector<16xf32>
        %parallel_loop3A_236 = arith.maximumf %parallel_loop3A_188, %parallel_loop3A_235 : vector<16xf32>
        %parallel_loop3A_237 = arith.constant 144 : i32
        %parallel_loop3A_238 = arith.addi %parallel_loop3A_174, %parallel_loop3A_237 : i32
        %parallel_loop3A_239 = arith.index_cast %parallel_loop3A_238 : i32 to index
        %parallel_loop3A_240 = tpu.vector_load %arg5[%parallel_loop3A_239] {strides = array<i32>} : memref<32768xf32, #tpu.memory_space<vmem>>, vector<16xf32>,
        %parallel_loop3A_241 = vector.shape_cast %parallel_loop3A_240 : vector<16xf32> to vector<16xf32>
        %parallel_loop3A_242 = arith.maximumf %parallel_loop3A_194, %parallel_loop3A_241 : vector<16xf32>
        %parallel_loop3A_243 = arith.constant 160 : i32
        %parallel_loop3A_244 = arith.addi %parallel_loop3A_174, %parallel_loop3A_243 : i32
        %parallel_loop3A_245 = arith.index_cast %parallel_loop3A_244 : i32 to index
        %parallel_loop3A_246 = tpu.vector_load %arg5[%parallel_loop3A_245] {strides = array<i32>} : memref<32768xf32, #tpu.memory_space<vmem>>, vector<16xf32>,
        %parallel_loop3A_247 = vector.shape_cast %parallel_loop3A_246 : vector<16xf32> to vector<16xf32>
        %parallel_loop3A_248 = arith.maximumf %parallel_loop3A_200, %parallel_loop3A_247 : vector<16xf32>
        %parallel_loop3A_249 = arith.constant 176 : i32
        %parallel_loop3A_250 = arith.addi %parallel_loop3A_174, %parallel_loop3A_249 : i32
        %parallel_loop3A_251 = arith.index_cast %parallel_loop3A_250 : i32 to index
        %parallel_loop3A_252 = tpu.vector_load %arg5[%parallel_loop3A_251] {strides = array<i32>} : memref<32768xf32, #tpu.memory_space<vmem>>, vector<16xf32>,
        %parallel_loop3A_253 = vector.shape_cast %parallel_loop3A_252 : vector<16xf32> to vector<16xf32>
        %parallel_loop3A_254 = arith.maximumf %parallel_loop3A_206, %parallel_loop3A_253 : vector<16xf32>
        %parallel_loop3A_255 = arith.constant 192 : i32
        %parallel_loop3A_256 = arith.addi %parallel_loop3A_174, %parallel_loop3A_255 : i32
        %parallel_loop3A_257 = arith.index_cast %parallel_loop3A_256 : i32 to index
        %parallel_loop3A_258 = tpu.vector_load %arg5[%parallel_loop3A_257] {strides = array<i32>} : memref<32768xf32, #tpu.memory_space<vmem>>, vector<16xf32>,
        %parallel_loop3A_259 = vector.shape_cast %parallel_loop3A_258 : vector<16xf32> to vector<16xf32>
        %parallel_loop3A_260 = arith.maximumf %parallel_loop3A_212, %parallel_loop3A_259 : vector<16xf32>
        %parallel_loop3A_261 = arith.constant 208 : i32
        %parallel_loop3A_262 = arith.addi %parallel_loop3A_174, %parallel_loop3A_261 : i32
        %parallel_loop3A_263 = arith.index_cast %parallel_loop3A_262 : i32 to index
        %parallel_loop3A_264 = tpu.vector_load %arg5[%parallel_loop3A_263] {strides = array<i32>} : memref<32768xf32, #tpu.memory_space<vmem>>, vector<16xf32>,
        %parallel_loop3A_265 = vector.shape_cast %parallel_loop3A_264 : vector<16xf32> to vector<16xf32>
        %parallel_loop3A_266 = arith.maximumf %parallel_loop3A_218, %parallel_loop3A_265 : vector<16xf32>
        %parallel_loop3A_267 = arith.constant 224 : i32
        %parallel_loop3A_268 = arith.addi %parallel_loop3A_174, %parallel_loop3A_267 : i32
        %parallel_loop3A_269 = arith.index_cast %parallel_loop3A_268 : i32 to index
        %parallel_loop3A_270 = tpu.vector_load %arg5[%parallel_loop3A_269] {strides = array<i32>} : memref<32768xf32, #tpu.memory_space<vmem>>, vector<16xf32>,
        %parallel_loop3A_271 = vector.shape_cast %parallel_loop3A_270 : vector<16xf32> to vector<16xf32>
        %parallel_loop3A_272 = arith.maximumf %parallel_loop3A_224, %parallel_loop3A_271 : vector<16xf32>
        %parallel_loop3A_273 = arith.constant 240 : i32
        %parallel_loop3A_274 = arith.addi %parallel_loop3A_174, %parallel_loop3A_273 : i32
        %parallel_loop3A_275 = arith.index_cast %parallel_loop3A_274 : i32 to index
        %parallel_loop3A_276 = tpu.vector_load %arg5[%parallel_loop3A_275] {strides = array<i32>} : memref<32768xf32, #tpu.memory_space<vmem>>, vector<16xf32>,
        %parallel_loop3A_277 = vector.shape_cast %parallel_loop3A_276 : vector<16xf32> to vector<16xf32>
        %parallel_loop3A_278 = arith.maximumf %parallel_loop3A_230, %parallel_loop3A_277 : vector<16xf32>
        %parallel_loop3A_279 = arith.constant 256 : i32
        %parallel_loop3A_280 = arith.addi %parallel_loop3A_174, %parallel_loop3A_279 : i32
        %parallel_loop3A_281 = arith.index_cast %parallel_loop3A_280 : i32 to index
        %parallel_loop3A_282 = tpu.vector_load %arg5[%parallel_loop3A_281] {strides = array<i32>} : memref<32768xf32, #tpu.memory_space<vmem>>, vector<16xf32>,
        %parallel_loop3A_283 = vector.shape_cast %parallel_loop3A_282 : vector<16xf32> to vector<16xf32>
        %parallel_loop3A_284 = arith.maximumf %parallel_loop3A_236, %parallel_loop3A_283 : vector<16xf32>
        %parallel_loop3A_285 = arith.constant 272 : i32
        %parallel_loop3A_286 = arith.addi %parallel_loop3A_174, %parallel_loop3A_285 : i32
        %parallel_loop3A_287 = arith.index_cast %parallel_loop3A_286 : i32 to index
        %parallel_loop3A_288 = tpu.vector_load %arg5[%parallel_loop3A_287] {strides = array<i32>} : memref<32768xf32, #tpu.memory_space<vmem>>, vector<16xf32>,
        %parallel_loop3A_289 = vector.shape_cast %parallel_loop3A_288 : vector<16xf32> to vector<16xf32>
        %parallel_loop3A_290 = arith.maximumf %parallel_loop3A_242, %parallel_loop3A_289 : vector<16xf32>
        %parallel_loop3A_291 = arith.constant 288 : i32
        %parallel_loop3A_292 = arith.addi %parallel_loop3A_174, %parallel_loop3A_291 : i32
        %parallel_loop3A_293 = arith.index_cast %parallel_loop3A_292 : i32 to index
        %parallel_loop3A_294 = tpu.vector_load %arg5[%parallel_loop3A_293] {strides = array<i32>} : memref<32768xf32, #tpu.memory_space<vmem>>, vector<16xf32>,
        %parallel_loop3A_295 = vector.shape_cast %parallel_loop3A_294 : vector<16xf32> to vector<16xf32>
        %parallel_loop3A_296 = arith.maximumf %parallel_loop3A_248, %parallel_loop3A_295 : vector<16xf32>
        %parallel_loop3A_297 = arith.constant 304 : i32
        %parallel_loop3A_298 = arith.addi %parallel_loop3A_174, %parallel_loop3A_297 : i32
        %parallel_loop3A_299 = arith.index_cast %parallel_loop3A_298 : i32 to index
        %parallel_loop3A_300 = tpu.vector_load %arg5[%parallel_loop3A_299] {strides = array<i32>} : memref<32768xf32, #tpu.memory_space<vmem>>, vector<16xf32>,
        %parallel_loop3A_301 = vector.shape_cast %parallel_loop3A_300 : vector<16xf32> to vector<16xf32>
        %parallel_loop3A_302 = arith.maximumf %parallel_loop3A_254, %parallel_loop3A_301 : vector<16xf32>
        %parallel_loop3A_303 = arith.constant 320 : i32
        %parallel_loop3A_304 = arith.addi %parallel_loop3A_174, %parallel_loop3A_303 : i32
        %parallel_loop3A_305 = arith.index_cast %parallel_loop3A_304 : i32 to index
        %parallel_loop3A_306 = tpu.vector_load %arg5[%parallel_loop3A_305] {strides = array<i32>} : memref<32768xf32, #tpu.memory_space<vmem>>, vector<16xf32>,
        %parallel_loop3A_307 = vector.shape_cast %parallel_loop3A_306 : vector<16xf32> to vector<16xf32>
        %parallel_loop3A_308 = arith.maximumf %parallel_loop3A_260, %parallel_loop3A_307 : vector<16xf32>
        %parallel_loop3A_309 = arith.constant 336 : i32
        %parallel_loop3A_310 = arith.addi %parallel_loop3A_174, %parallel_loop3A_309 : i32
        %parallel_loop3A_311 = arith.index_cast %parallel_loop3A_310 : i32 to index
        %parallel_loop3A_312 = tpu.vector_load %arg5[%parallel_loop3A_311] {strides = array<i32>} : memref<32768xf32, #tpu.memory_space<vmem>>, vector<16xf32>,
        %parallel_loop3A_313 = vector.shape_cast %parallel_loop3A_312 : vector<16xf32> to vector<16xf32>
        %parallel_loop3A_314 = arith.maximumf %parallel_loop3A_266, %parallel_loop3A_313 : vector<16xf32>
        %parallel_loop3A_315 = arith.constant 352 : i32
        %parallel_loop3A_316 = arith.addi %parallel_loop3A_174, %parallel_loop3A_315 : i32
        %parallel_loop3A_317 = arith.index_cast %parallel_loop3A_316 : i32 to index
        %parallel_loop3A_318 = tpu.vector_load %arg5[%parallel_loop3A_317] {strides = array<i32>} : memref<32768xf32, #tpu.memory_space<vmem>>, vector<16xf32>,
        %parallel_loop3A_319 = vector.shape_cast %parallel_loop3A_318 : vector<16xf32> to vector<16xf32>
        %parallel_loop3A_320 = arith.maximumf %parallel_loop3A_272, %parallel_loop3A_319 : vector<16xf32>
        %parallel_loop3A_321 = arith.constant 368 : i32
        %parallel_loop3A_322 = arith.addi %parallel_loop3A_174, %parallel_loop3A_321 : i32
        %parallel_loop3A_323 = arith.index_cast %parallel_loop3A_322 : i32 to index
        %parallel_loop3A_324 = tpu.vector_load %arg5[%parallel_loop3A_323] {strides = array<i32>} : memref<32768xf32, #tpu.memory_space<vmem>>, vector<16xf32>,
        %parallel_loop3A_325 = vector.shape_cast %parallel_loop3A_324 : vector<16xf32> to vector<16xf32>
        %parallel_loop3A_326 = arith.maximumf %parallel_loop3A_278, %parallel_loop3A_325 : vector<16xf32>
        %parallel_loop3A_327 = arith.constant 384 : i32
        %parallel_loop3A_328 = arith.addi %parallel_loop3A_174, %parallel_loop3A_327 : i32
        %parallel_loop3A_329 = arith.index_cast %parallel_loop3A_328 : i32 to index
        %parallel_loop3A_330 = tpu.vector_load %arg5[%parallel_loop3A_329] {strides = array<i32>} : memref<32768xf32, #tpu.memory_space<vmem>>, vector<16xf32>,
        %parallel_loop3A_331 = vector.shape_cast %parallel_loop3A_330 : vector<16xf32> to vector<16xf32>
        %parallel_loop3A_332 = arith.maximumf %parallel_loop3A_284, %parallel_loop3A_331 : vector<16xf32>
        %parallel_loop3A_333 = arith.constant 400 : i32
        %parallel_loop3A_334 = arith.addi %parallel_loop3A_174, %parallel_loop3A_333 : i32
        %parallel_loop3A_335 = arith.index_cast %parallel_loop3A_334 : i32 to index
        %parallel_loop3A_336 = tpu.vector_load %arg5[%parallel_loop3A_335] {strides = array<i32>} : memref<32768xf32, #tpu.memory_space<vmem>>, vector<16xf32>,
        %parallel_loop3A_337 = vector.shape_cast %parallel_loop3A_336 : vector<16xf32> to vector<16xf32>
        %parallel_loop3A_338 = arith.maximumf %parallel_loop3A_290, %parallel_loop3A_337 : vector<16xf32>
        %parallel_loop3A_339 = arith.constant 416 : i32
        %parallel_loop3A_340 = arith.addi %parallel_loop3A_174, %parallel_loop3A_339 : i32
        %parallel_loop3A_341 = arith.index_cast %parallel_loop3A_340 : i32 to index
        %parallel_loop3A_342 = tpu.vector_load %arg5[%parallel_loop3A_341] {strides = array<i32>} : memref<32768xf32, #tpu.memory_space<vmem>>, vector<16xf32>,
        %parallel_loop3A_343 = vector.shape_cast %parallel_loop3A_342 : vector<16xf32> to vector<16xf32>
        %parallel_loop3A_344 = arith.maximumf %parallel_loop3A_296, %parallel_loop3A_343 : vector<16xf32>
        %parallel_loop3A_345 = arith.constant 432 : i32
        %parallel_loop3A_346 = arith.addi %parallel_loop3A_174, %parallel_loop3A_345 : i32
        %parallel_loop3A_347 = arith.index_cast %parallel_loop3A_346 : i32 to index
        %parallel_loop3A_348 = tpu.vector_load %arg5[%parallel_loop3A_347] {strides = array<i32>} : memref<32768xf32, #tpu.memory_space<vmem>>, vector<16xf32>,
        %parallel_loop3A_349 = vector.shape_cast %parallel_loop3A_348 : vector<16xf32> to vector<16xf32>
        %parallel_loop3A_350 = arith.maximumf %parallel_loop3A_302, %parallel_loop3A_349 : vector<16xf32>
        %parallel_loop3A_351 = arith.constant 448 : i32
        %parallel_loop3A_352 = arith.addi %parallel_loop3A_174, %parallel_loop3A_351 : i32
        %parallel_loop3A_353 = arith.index_cast %parallel_loop3A_352 : i32 to index
        %parallel_loop3A_354 = tpu.vector_load %arg5[%parallel_loop3A_353] {strides = array<i32>} : memref<32768xf32, #tpu.memory_space<vmem>>, vector<16xf32>,
        %parallel_loop3A_355 = vector.shape_cast %parallel_loop3A_354 : vector<16xf32> to vector<16xf32>
        %parallel_loop3A_356 = arith.maximumf %parallel_loop3A_308, %parallel_loop3A_355 : vector<16xf32>
        %parallel_loop3A_357 = arith.constant 464 : i32
        %parallel_loop3A_358 = arith.addi %parallel_loop3A_174, %parallel_loop3A_357 : i32
        %parallel_loop3A_359 = arith.index_cast %parallel_loop3A_358 : i32 to index
        %parallel_loop3A_360 = tpu.vector_load %arg5[%parallel_loop3A_359] {strides = array<i32>} : memref<32768xf32, #tpu.memory_space<vmem>>, vector<16xf32>,
        %parallel_loop3A_361 = vector.shape_cast %parallel_loop3A_360 : vector<16xf32> to vector<16xf32>
        %parallel_loop3A_362 = arith.maximumf %parallel_loop3A_314, %parallel_loop3A_361 : vector<16xf32>
        %parallel_loop3A_363 = arith.constant 480 : i32
        %parallel_loop3A_364 = arith.addi %parallel_loop3A_174, %parallel_loop3A_363 : i32
        %parallel_loop3A_365 = arith.index_cast %parallel_loop3A_364 : i32 to index
        %parallel_loop3A_366 = tpu.vector_load %arg5[%parallel_loop3A_365] {strides = array<i32>} : memref<32768xf32, #tpu.memory_space<vmem>>, vector<16xf32>,
        %parallel_loop3A_367 = vector.shape_cast %parallel_loop3A_366 : vector<16xf32> to vector<16xf32>
        %parallel_loop3A_368 = arith.maximumf %parallel_loop3A_320, %parallel_loop3A_367 : vector<16xf32>
        %parallel_loop3A_369 = arith.constant 496 : i32
        %parallel_loop3A_370 = arith.addi %parallel_loop3A_174, %parallel_loop3A_369 : i32
        %parallel_loop3A_371 = arith.index_cast %parallel_loop3A_370 : i32 to index
        %parallel_loop3A_372 = tpu.vector_load %arg5[%parallel_loop3A_371] {strides = array<i32>} : memref<32768xf32, #tpu.memory_space<vmem>>, vector<16xf32>,
        %parallel_loop3A_373 = vector.shape_cast %parallel_loop3A_372 : vector<16xf32> to vector<16xf32>
        %parallel_loop3A_374 = arith.maximumf %parallel_loop3A_326, %parallel_loop3A_373 : vector<16xf32>
        scf.yield %parallel_loop3A_332, %parallel_loop3A_338, %parallel_loop3A_344, %parallel_loop3A_350, %parallel_loop3A_356, %parallel_loop3A_362, %parallel_loop3A_368, %parallel_loop3A_374 : vector<16xf32>, vector<16xf32>, vector<16xf32>, vector<16xf32>, vector<16xf32>, vector<16xf32>, vector<16xf32>, vector<16xf32>
      } {sc.loop_unroll_factor = 1 : i64, sc.parallel_access}
      %max3A = arith.maximumf %parallel_loop3A_53#0, %parallel_loop3A_53#1 : vector<16xf32>
      %max3A_54 = arith.maximumf %max3A, %parallel_loop3A_53#2 : vector<16xf32>
      %max3A_55 = arith.maximumf %max3A_54, %parallel_loop3A_53#3 : vector<16xf32>
      %max3A_56 = arith.maximumf %max3A_55, %parallel_loop3A_53#4 : vector<16xf32>
      %max3A_57 = arith.maximumf %max3A_56, %parallel_loop3A_53#5 : vector<16xf32>
      %max3A_58 = arith.maximumf %max3A_57, %parallel_loop3A_53#6 : vector<16xf32>
      %max3A_59 = arith.maximumf %max3A_58, %parallel_loop3A_53#7 : vector<16xf32>
      %mul3A_60 = arith.constant 1.000000e+01 : f32
      %mul3A_61 = vector.broadcast %mul3A_60 : f32 to vector<16xf32>
      %mul3A_62 = arith.mulf %max3A_59, %mul3A_61 : vector<16xf32>
      %max3A_63 = arith.maximumf %broadcast_in_dim3A_32, %mul3A_62 : vector<16xf32>
      %broadcast_in_dim3A_64 = arith.constant 0.000000e+00 : f32
      %broadcast_in_dim3A_65 = vector.broadcast %broadcast_in_dim3A_64 : f32 to vector<16xf32>
      %broadcast_in_dim3A_66 = arith.constant 0.000000e+00 : f32
      %broadcast_in_dim3A_67 = vector.broadcast %broadcast_in_dim3A_66 : f32 to vector<16xf32>
      %broadcast_in_dim3A_68 = arith.constant 0.000000e+00 : f32
      %broadcast_in_dim3A_69 = vector.broadcast %broadcast_in_dim3A_68 : f32 to vector<16xf32>
      %broadcast_in_dim3A_70 = arith.constant 0.000000e+00 : f32
      %broadcast_in_dim3A_71 = vector.broadcast %broadcast_in_dim3A_70 : f32 to vector<16xf32>
      %broadcast_in_dim3A_72 = arith.constant 0.000000e+00 : f32
      %broadcast_in_dim3A_73 = vector.broadcast %broadcast_in_dim3A_72 : f32 to vector<16xf32>
      %broadcast_in_dim3A_74 = arith.constant 0.000000e+00 : f32
      %broadcast_in_dim3A_75 = vector.broadcast %broadcast_in_dim3A_74 : f32 to vector<16xf32>
      %broadcast_in_dim3A_76 = arith.constant 0.000000e+00 : f32
      %broadcast_in_dim3A_77 = vector.broadcast %broadcast_in_dim3A_76 : f32 to vector<16xf32>
      %broadcast_in_dim3A_78 = arith.constant 0.000000e+00 : f32
      %broadcast_in_dim3A_79 = vector.broadcast %broadcast_in_dim3A_78 : f32 to vector<16xf32>
      %parallel_loop3A_80 = arith.constant 0 : i32
      %parallel_loop3A_81 = arith.constant 32768 : i32
      %parallel_loop3A_82 = arith.constant 512 : i32
      %parallel_loop3A_83:8 = scf.for %parallel_loop3A_174 = %parallel_loop3A_80 to %parallel_loop3A_81 step %parallel_loop3A_82 iter_args(%parallel_loop3A_175 = %broadcast_in_dim3A_65, %parallel_loop3A_176 = %broadcast_in_dim3A_67, %parallel_loop3A_177 = %broadcast_in_dim3A_69, %parallel_loop3A_178 = %broadcast_in_dim3A_71, %parallel_loop3A_179 = %broadcast_in_dim3A_73, %parallel_loop3A_180 = %broadcast_in_dim3A_75, %parallel_loop3A_181 = %broadcast_in_dim3A_77, %parallel_loop3A_182 = %broadcast_in_dim3A_79) -> (vector<16xf32>, vector<16xf32>, vector<16xf32>, vector<16xf32>, vector<16xf32>, vector<16xf32>, vector<16xf32>, vector<16xf32>)  : i32 {
        %parallel_loop3A_183 = arith.constant 0 : i32
        %parallel_loop3A_184 = arith.addi %parallel_loop3A_174, %parallel_loop3A_183 : i32
        %parallel_loop3A_185 = arith.index_cast %parallel_loop3A_184 : i32 to index
        %parallel_loop3A_186 = tpu.vector_load %arg5[%parallel_loop3A_185] {strides = array<i32>} : memref<32768xf32, #tpu.memory_space<vmem>>, vector<16xf32>,
        %parallel_loop3A_187 = vector.shape_cast %parallel_loop3A_186 : vector<16xf32> to vector<16xf32>
        %parallel_loop3A_188 = arith.constant 1.000000e+01 : f32
        %parallel_loop3A_189 = vector.broadcast %parallel_loop3A_188 : f32 to vector<16xf32>
        %parallel_loop3A_190 = arith.mulf %parallel_loop3A_187, %parallel_loop3A_189 : vector<16xf32>
        %parallel_loop3A_191 = arith.subf %parallel_loop3A_190, %max3A_63 : vector<16xf32>
        %parallel_loop3A_192 = math.exp %parallel_loop3A_191 : vector<16xf32>
        %parallel_loop3A_193 = arith.addf %parallel_loop3A_175, %parallel_loop3A_192 : vector<16xf32>
        %parallel_loop3A_194 = arith.constant 16 : i32
        %parallel_loop3A_195 = arith.addi %parallel_loop3A_174, %parallel_loop3A_194 : i32
        %parallel_loop3A_196 = arith.index_cast %parallel_loop3A_195 : i32 to index
        %parallel_loop3A_197 = tpu.vector_load %arg5[%parallel_loop3A_196] {strides = array<i32>} : memref<32768xf32, #tpu.memory_space<vmem>>, vector<16xf32>,
        %parallel_loop3A_198 = vector.shape_cast %parallel_loop3A_197 : vector<16xf32> to vector<16xf32>
        %parallel_loop3A_199 = arith.constant 1.000000e+01 : f32
        %parallel_loop3A_200 = vector.broadcast %parallel_loop3A_199 : f32 to vector<16xf32>
        %parallel_loop3A_201 = arith.mulf %parallel_loop3A_198, %parallel_loop3A_200 : vector<16xf32>
        %parallel_loop3A_202 = arith.subf %parallel_loop3A_201, %max3A_63 : vector<16xf32>
        %parallel_loop3A_203 = math.exp %parallel_loop3A_202 : vector<16xf32>
        %parallel_loop3A_204 = arith.addf %parallel_loop3A_176, %parallel_loop3A_203 : vector<16xf32>
        %parallel_loop3A_205 = arith.constant 32 : i32
        %parallel_loop3A_206 = arith.addi %parallel_loop3A_174, %parallel_loop3A_205 : i32
        %parallel_loop3A_207 = arith.index_cast %parallel_loop3A_206 : i32 to index
        %parallel_loop3A_208 = tpu.vector_load %arg5[%parallel_loop3A_207] {strides = array<i32>} : memref<32768xf32, #tpu.memory_space<vmem>>, vector<16xf32>,
        %parallel_loop3A_209 = vector.shape_cast %parallel_loop3A_208 : vector<16xf32> to vector<16xf32>
        %parallel_loop3A_210 = arith.constant 1.000000e+01 : f32
        %parallel_loop3A_211 = vector.broadcast %parallel_loop3A_210 : f32 to vector<16xf32>
        %parallel_loop3A_212 = arith.mulf %parallel_loop3A_209, %parallel_loop3A_211 : vector<16xf32>
        %parallel_loop3A_213 = arith.subf %parallel_loop3A_212, %max3A_63 : vector<16xf32>
        %parallel_loop3A_214 = math.exp %parallel_loop3A_213 : vector<16xf32>
        %parallel_loop3A_215 = arith.addf %parallel_loop3A_177, %parallel_loop3A_214 : vector<16xf32>
        %parallel_loop3A_216 = arith.constant 48 : i32
        %parallel_loop3A_217 = arith.addi %parallel_loop3A_174, %parallel_loop3A_216 : i32
        %parallel_loop3A_218 = arith.index_cast %parallel_loop3A_217 : i32 to index
        %parallel_loop3A_219 = tpu.vector_load %arg5[%parallel_loop3A_218] {strides = array<i32>} : memref<32768xf32, #tpu.memory_space<vmem>>, vector<16xf32>,
        %parallel_loop3A_220 = vector.shape_cast %parallel_loop3A_219 : vector<16xf32> to vector<16xf32>
        %parallel_loop3A_221 = arith.constant 1.000000e+01 : f32
        %parallel_loop3A_222 = vector.broadcast %parallel_loop3A_221 : f32 to vector<16xf32>
        %parallel_loop3A_223 = arith.mulf %parallel_loop3A_220, %parallel_loop3A_222 : vector<16xf32>
        %parallel_loop3A_224 = arith.subf %parallel_loop3A_223, %max3A_63 : vector<16xf32>
        %parallel_loop3A_225 = math.exp %parallel_loop3A_224 : vector<16xf32>
        %parallel_loop3A_226 = arith.addf %parallel_loop3A_178, %parallel_loop3A_225 : vector<16xf32>
        %parallel_loop3A_227 = arith.constant 64 : i32
        %parallel_loop3A_228 = arith.addi %parallel_loop3A_174, %parallel_loop3A_227 : i32
        %parallel_loop3A_229 = arith.index_cast %parallel_loop3A_228 : i32 to index
        %parallel_loop3A_230 = tpu.vector_load %arg5[%parallel_loop3A_229] {strides = array<i32>} : memref<32768xf32, #tpu.memory_space<vmem>>, vector<16xf32>,
        %parallel_loop3A_231 = vector.shape_cast %parallel_loop3A_230 : vector<16xf32> to vector<16xf32>
        %parallel_loop3A_232 = arith.constant 1.000000e+01 : f32
        %parallel_loop3A_233 = vector.broadcast %parallel_loop3A_232 : f32 to vector<16xf32>
        %parallel_loop3A_234 = arith.mulf %parallel_loop3A_231, %parallel_loop3A_233 : vector<16xf32>
        %parallel_loop3A_235 = arith.subf %parallel_loop3A_234, %max3A_63 : vector<16xf32>
        %parallel_loop3A_236 = math.exp %parallel_loop3A_235 : vector<16xf32>
        %parallel_loop3A_237 = arith.addf %parallel_loop3A_179, %parallel_loop3A_236 : vector<16xf32>
        %parallel_loop3A_238 = arith.constant 80 : i32
        %parallel_loop3A_239 = arith.addi %parallel_loop3A_174, %parallel_loop3A_238 : i32
        %parallel_loop3A_240 = arith.index_cast %parallel_loop3A_239 : i32 to index
        %parallel_loop3A_241 = tpu.vector_load %arg5[%parallel_loop3A_240] {strides = array<i32>} : memref<32768xf32, #tpu.memory_space<vmem>>, vector<16xf32>,
        %parallel_loop3A_242 = vector.shape_cast %parallel_loop3A_241 : vector<16xf32> to vector<16xf32>
        %parallel_loop3A_243 = arith.constant 1.000000e+01 : f32
        %parallel_loop3A_244 = vector.broadcast %parallel_loop3A_243 : f32 to vector<16xf32>
        %parallel_loop3A_245 = arith.mulf %parallel_loop3A_242, %parallel_loop3A_244 : vector<16xf32>
        %parallel_loop3A_246 = arith.subf %parallel_loop3A_245, %max3A_63 : vector<16xf32>
        %parallel_loop3A_247 = math.exp %parallel_loop3A_246 : vector<16xf32>
        %parallel_loop3A_248 = arith.addf %parallel_loop3A_180, %parallel_loop3A_247 : vector<16xf32>
        %parallel_loop3A_249 = arith.constant 96 : i32
        %parallel_loop3A_250 = arith.addi %parallel_loop3A_174, %parallel_loop3A_249 : i32
        %parallel_loop3A_251 = arith.index_cast %parallel_loop3A_250 : i32 to index
        %parallel_loop3A_252 = tpu.vector_load %arg5[%parallel_loop3A_251] {strides = array<i32>} : memref<32768xf32, #tpu.memory_space<vmem>>, vector<16xf32>,
        %parallel_loop3A_253 = vector.shape_cast %parallel_loop3A_252 : vector<16xf32> to vector<16xf32>
        %parallel_loop3A_254 = arith.constant 1.000000e+01 : f32
        %parallel_loop3A_255 = vector.broadcast %parallel_loop3A_254 : f32 to vector<16xf32>
        %parallel_loop3A_256 = arith.mulf %parallel_loop3A_253, %parallel_loop3A_255 : vector<16xf32>
        %parallel_loop3A_257 = arith.subf %parallel_loop3A_256, %max3A_63 : vector<16xf32>
        %parallel_loop3A_258 = math.exp %parallel_loop3A_257 : vector<16xf32>
        %parallel_loop3A_259 = arith.addf %parallel_loop3A_181, %parallel_loop3A_258 : vector<16xf32>
        %parallel_loop3A_260 = arith.constant 112 : i32
        %parallel_loop3A_261 = arith.addi %parallel_loop3A_174, %parallel_loop3A_260 : i32
        %parallel_loop3A_262 = arith.index_cast %parallel_loop3A_261 : i32 to index
        %parallel_loop3A_263 = tpu.vector_load %arg5[%parallel_loop3A_262] {strides = array<i32>} : memref<32768xf32, #tpu.memory_space<vmem>>, vector<16xf32>,
        %parallel_loop3A_264 = vector.shape_cast %parallel_loop3A_263 : vector<16xf32> to vector<16xf32>
        %parallel_loop3A_265 = arith.constant 1.000000e+01 : f32
        %parallel_loop3A_266 = vector.broadcast %parallel_loop3A_265 : f32 to vector<16xf32>
        %parallel_loop3A_267 = arith.mulf %parallel_loop3A_264, %parallel_loop3A_266 : vector<16xf32>
        %parallel_loop3A_268 = arith.subf %parallel_loop3A_267, %max3A_63 : vector<16xf32>
        %parallel_loop3A_269 = math.exp %parallel_loop3A_268 : vector<16xf32>
        %parallel_loop3A_270 = arith.addf %parallel_loop3A_182, %parallel_loop3A_269 : vector<16xf32>
        %parallel_loop3A_271 = arith.constant 128 : i32
        %parallel_loop3A_272 = arith.addi %parallel_loop3A_174, %parallel_loop3A_271 : i32
        %parallel_loop3A_273 = arith.index_cast %parallel_loop3A_272 : i32 to index
        %parallel_loop3A_274 = tpu.vector_load %arg5[%parallel_loop3A_273] {strides = array<i32>} : memref<32768xf32, #tpu.memory_space<vmem>>, vector<16xf32>,
        %parallel_loop3A_275 = vector.shape_cast %parallel_loop3A_274 : vector<16xf32> to vector<16xf32>
        %parallel_loop3A_276 = arith.constant 1.000000e+01 : f32
        %parallel_loop3A_277 = vector.broadcast %parallel_loop3A_276 : f32 to vector<16xf32>
        %parallel_loop3A_278 = arith.mulf %parallel_loop3A_275, %parallel_loop3A_277 : vector<16xf32>
        %parallel_loop3A_279 = arith.subf %parallel_loop3A_278, %max3A_63 : vector<16xf32>
        %parallel_loop3A_280 = math.exp %parallel_loop3A_279 : vector<16xf32>
        %parallel_loop3A_281 = arith.addf %parallel_loop3A_193, %parallel_loop3A_280 : vector<16xf32>
        %parallel_loop3A_282 = arith.constant 144 : i32
        %parallel_loop3A_283 = arith.addi %parallel_loop3A_174, %parallel_loop3A_282 : i32
        %parallel_loop3A_284 = arith.index_cast %parallel_loop3A_283 : i32 to index
        %parallel_loop3A_285 = tpu.vector_load %arg5[%parallel_loop3A_284] {strides = array<i32>} : memref<32768xf32, #tpu.memory_space<vmem>>, vector<16xf32>,
        %parallel_loop3A_286 = vector.shape_cast %parallel_loop3A_285 : vector<16xf32> to vector<16xf32>
        %parallel_loop3A_287 = arith.constant 1.000000e+01 : f32
        %parallel_loop3A_288 = vector.broadcast %parallel_loop3A_287 : f32 to vector<16xf32>
        %parallel_loop3A_289 = arith.mulf %parallel_loop3A_286, %parallel_loop3A_288 : vector<16xf32>
        %parallel_loop3A_290 = arith.subf %parallel_loop3A_289, %max3A_63 : vector<16xf32>
        %parallel_loop3A_291 = math.exp %parallel_loop3A_290 : vector<16xf32>
        %parallel_loop3A_292 = arith.addf %parallel_loop3A_204, %parallel_loop3A_291 : vector<16xf32>
        %parallel_loop3A_293 = arith.constant 160 : i32
        %parallel_loop3A_294 = arith.addi %parallel_loop3A_174, %parallel_loop3A_293 : i32
        %parallel_loop3A_295 = arith.index_cast %parallel_loop3A_294 : i32 to index
        %parallel_loop3A_296 = tpu.vector_load %arg5[%parallel_loop3A_295] {strides = array<i32>} : memref<32768xf32, #tpu.memory_space<vmem>>, vector<16xf32>,
        %parallel_loop3A_297 = vector.shape_cast %parallel_loop3A_296 : vector<16xf32> to vector<16xf32>
        %parallel_loop3A_298 = arith.constant 1.000000e+01 : f32
        %parallel_loop3A_299 = vector.broadcast %parallel_loop3A_298 : f32 to vector<16xf32>
        %parallel_loop3A_300 = arith.mulf %parallel_loop3A_297, %parallel_loop3A_299 : vector<16xf32>
        %parallel_loop3A_301 = arith.subf %parallel_loop3A_300, %max3A_63 : vector<16xf32>
        %parallel_loop3A_302 = math.exp %parallel_loop3A_301 : vector<16xf32>
        %parallel_loop3A_303 = arith.addf %parallel_loop3A_215, %parallel_loop3A_302 : vector<16xf32>
        %parallel_loop3A_304 = arith.constant 176 : i32
        %parallel_loop3A_305 = arith.addi %parallel_loop3A_174, %parallel_loop3A_304 : i32
        %parallel_loop3A_306 = arith.index_cast %parallel_loop3A_305 : i32 to index
        %parallel_loop3A_307 = tpu.vector_load %arg5[%parallel_loop3A_306] {strides = array<i32>} : memref<32768xf32, #tpu.memory_space<vmem>>, vector<16xf32>,
        %parallel_loop3A_308 = vector.shape_cast %parallel_loop3A_307 : vector<16xf32> to vector<16xf32>
        %parallel_loop3A_309 = arith.constant 1.000000e+01 : f32
        %parallel_loop3A_310 = vector.broadcast %parallel_loop3A_309 : f32 to vector<16xf32>
        %parallel_loop3A_311 = arith.mulf %parallel_loop3A_308, %parallel_loop3A_310 : vector<16xf32>
        %parallel_loop3A_312 = arith.subf %parallel_loop3A_311, %max3A_63 : vector<16xf32>
        %parallel_loop3A_313 = math.exp %parallel_loop3A_312 : vector<16xf32>
        %parallel_loop3A_314 = arith.addf %parallel_loop3A_226, %parallel_loop3A_313 : vector<16xf32>
        %parallel_loop3A_315 = arith.constant 192 : i32
        %parallel_loop3A_316 = arith.addi %parallel_loop3A_174, %parallel_loop3A_315 : i32
        %parallel_loop3A_317 = arith.index_cast %parallel_loop3A_316 : i32 to index
        %parallel_loop3A_318 = tpu.vector_load %arg5[%parallel_loop3A_317] {strides = array<i32>} : memref<32768xf32, #tpu.memory_space<vmem>>, vector<16xf32>,
        %parallel_loop3A_319 = vector.shape_cast %parallel_loop3A_318 : vector<16xf32> to vector<16xf32>
        %parallel_loop3A_320 = arith.constant 1.000000e+01 : f32
        %parallel_loop3A_321 = vector.broadcast %parallel_loop3A_320 : f32 to vector<16xf32>
        %parallel_loop3A_322 = arith.mulf %parallel_loop3A_319, %parallel_loop3A_321 : vector<16xf32>
        %parallel_loop3A_323 = arith.subf %parallel_loop3A_322, %max3A_63 : vector<16xf32>
        %parallel_loop3A_324 = math.exp %parallel_loop3A_323 : vector<16xf32>
        %parallel_loop3A_325 = arith.addf %parallel_loop3A_237, %parallel_loop3A_324 : vector<16xf32>
        %parallel_loop3A_326 = arith.constant 208 : i32
        %parallel_loop3A_327 = arith.addi %parallel_loop3A_174, %parallel_loop3A_326 : i32
        %parallel_loop3A_328 = arith.index_cast %parallel_loop3A_327 : i32 to index
        %parallel_loop3A_329 = tpu.vector_load %arg5[%parallel_loop3A_328] {strides = array<i32>} : memref<32768xf32, #tpu.memory_space<vmem>>, vector<16xf32>,
        %parallel_loop3A_330 = vector.shape_cast %parallel_loop3A_329 : vector<16xf32> to vector<16xf32>
        %parallel_loop3A_331 = arith.constant 1.000000e+01 : f32
        %parallel_loop3A_332 = vector.broadcast %parallel_loop3A_331 : f32 to vector<16xf32>
        %parallel_loop3A_333 = arith.mulf %parallel_loop3A_330, %parallel_loop3A_332 : vector<16xf32>
        %parallel_loop3A_334 = arith.subf %parallel_loop3A_333, %max3A_63 : vector<16xf32>
        %parallel_loop3A_335 = math.exp %parallel_loop3A_334 : vector<16xf32>
        %parallel_loop3A_336 = arith.addf %parallel_loop3A_248, %parallel_loop3A_335 : vector<16xf32>
        %parallel_loop3A_337 = arith.constant 224 : i32
        %parallel_loop3A_338 = arith.addi %parallel_loop3A_174, %parallel_loop3A_337 : i32
        %parallel_loop3A_339 = arith.index_cast %parallel_loop3A_338 : i32 to index
        %parallel_loop3A_340 = tpu.vector_load %arg5[%parallel_loop3A_339] {strides = array<i32>} : memref<32768xf32, #tpu.memory_space<vmem>>, vector<16xf32>,
        %parallel_loop3A_341 = vector.shape_cast %parallel_loop3A_340 : vector<16xf32> to vector<16xf32>
        %parallel_loop3A_342 = arith.constant 1.000000e+01 : f32
        %parallel_loop3A_343 = vector.broadcast %parallel_loop3A_342 : f32 to vector<16xf32>
        %parallel_loop3A_344 = arith.mulf %parallel_loop3A_341, %parallel_loop3A_343 : vector<16xf32>
        %parallel_loop3A_345 = arith.subf %parallel_loop3A_344, %max3A_63 : vector<16xf32>
        %parallel_loop3A_346 = math.exp %parallel_loop3A_345 : vector<16xf32>
        %parallel_loop3A_347 = arith.addf %parallel_loop3A_259, %parallel_loop3A_346 : vector<16xf32>
        %parallel_loop3A_348 = arith.constant 240 : i32
        %parallel_loop3A_349 = arith.addi %parallel_loop3A_174, %parallel_loop3A_348 : i32
        %parallel_loop3A_350 = arith.index_cast %parallel_loop3A_349 : i32 to index
        %parallel_loop3A_351 = tpu.vector_load %arg5[%parallel_loop3A_350] {strides = array<i32>} : memref<32768xf32, #tpu.memory_space<vmem>>, vector<16xf32>,
        %parallel_loop3A_352 = vector.shape_cast %parallel_loop3A_351 : vector<16xf32> to vector<16xf32>
        %parallel_loop3A_353 = arith.constant 1.000000e+01 : f32
        %parallel_loop3A_354 = vector.broadcast %parallel_loop3A_353 : f32 to vector<16xf32>
        %parallel_loop3A_355 = arith.mulf %parallel_loop3A_352, %parallel_loop3A_354 : vector<16xf32>
        %parallel_loop3A_356 = arith.subf %parallel_loop3A_355, %max3A_63 : vector<16xf32>
        %parallel_loop3A_357 = math.exp %parallel_loop3A_356 : vector<16xf32>
        %parallel_loop3A_358 = arith.addf %parallel_loop3A_270, %parallel_loop3A_357 : vector<16xf32>
        %parallel_loop3A_359 = arith.constant 256 : i32
        %parallel_loop3A_360 = arith.addi %parallel_loop3A_174, %parallel_loop3A_359 : i32
        %parallel_loop3A_361 = arith.index_cast %parallel_loop3A_360 : i32 to index
        %parallel_loop3A_362 = tpu.vector_load %arg5[%parallel_loop3A_361] {strides = array<i32>} : memref<32768xf32, #tpu.memory_space<vmem>>, vector<16xf32>,
        %parallel_loop3A_363 = vector.shape_cast %parallel_loop3A_362 : vector<16xf32> to vector<16xf32>
        %parallel_loop3A_364 = arith.constant 1.000000e+01 : f32
        %parallel_loop3A_365 = vector.broadcast %parallel_loop3A_364 : f32 to vector<16xf32>
        %parallel_loop3A_366 = arith.mulf %parallel_loop3A_363, %parallel_loop3A_365 : vector<16xf32>
        %parallel_loop3A_367 = arith.subf %parallel_loop3A_366, %max3A_63 : vector<16xf32>
        %parallel_loop3A_368 = math.exp %parallel_loop3A_367 : vector<16xf32>
        %parallel_loop3A_369 = arith.addf %parallel_loop3A_281, %parallel_loop3A_368 : vector<16xf32>
        %parallel_loop3A_370 = arith.constant 272 : i32
        %parallel_loop3A_371 = arith.addi %parallel_loop3A_174, %parallel_loop3A_370 : i32
        %parallel_loop3A_372 = arith.index_cast %parallel_loop3A_371 : i32 to index
        %parallel_loop3A_373 = tpu.vector_load %arg5[%parallel_loop3A_372] {strides = array<i32>} : memref<32768xf32, #tpu.memory_space<vmem>>, vector<16xf32>,
        %parallel_loop3A_374 = vector.shape_cast %parallel_loop3A_373 : vector<16xf32> to vector<16xf32>
        %parallel_loop3A_375 = arith.constant 1.000000e+01 : f32
        %parallel_loop3A_376 = vector.broadcast %parallel_loop3A_375 : f32 to vector<16xf32>
        %parallel_loop3A_377 = arith.mulf %parallel_loop3A_374, %parallel_loop3A_376 : vector<16xf32>
        %parallel_loop3A_378 = arith.subf %parallel_loop3A_377, %max3A_63 : vector<16xf32>
        %parallel_loop3A_379 = math.exp %parallel_loop3A_378 : vector<16xf32>
        %parallel_loop3A_380 = arith.addf %parallel_loop3A_292, %parallel_loop3A_379 : vector<16xf32>
        %parallel_loop3A_381 = arith.constant 288 : i32
        %parallel_loop3A_382 = arith.addi %parallel_loop3A_174, %parallel_loop3A_381 : i32
        %parallel_loop3A_383 = arith.index_cast %parallel_loop3A_382 : i32 to index
        %parallel_loop3A_384 = tpu.vector_load %arg5[%parallel_loop3A_383] {strides = array<i32>} : memref<32768xf32, #tpu.memory_space<vmem>>, vector<16xf32>,
        %parallel_loop3A_385 = vector.shape_cast %parallel_loop3A_384 : vector<16xf32> to vector<16xf32>
        %parallel_loop3A_386 = arith.constant 1.000000e+01 : f32
        %parallel_loop3A_387 = vector.broadcast %parallel_loop3A_386 : f32 to vector<16xf32>
        %parallel_loop3A_388 = arith.mulf %parallel_loop3A_385, %parallel_loop3A_387 : vector<16xf32>
        %parallel_loop3A_389 = arith.subf %parallel_loop3A_388, %max3A_63 : vector<16xf32>
        %parallel_loop3A_390 = math.exp %parallel_loop3A_389 : vector<16xf32>
        %parallel_loop3A_391 = arith.addf %parallel_loop3A_303, %parallel_loop3A_390 : vector<16xf32>
        %parallel_loop3A_392 = arith.constant 304 : i32
        %parallel_loop3A_393 = arith.addi %parallel_loop3A_174, %parallel_loop3A_392 : i32
        %parallel_loop3A_394 = arith.index_cast %parallel_loop3A_393 : i32 to index
        %parallel_loop3A_395 = tpu.vector_load %arg5[%parallel_loop3A_394] {strides = array<i32>} : memref<32768xf32, #tpu.memory_space<vmem>>, vector<16xf32>,
        %parallel_loop3A_396 = vector.shape_cast %parallel_loop3A_395 : vector<16xf32> to vector<16xf32>
        %parallel_loop3A_397 = arith.constant 1.000000e+01 : f32
        %parallel_loop3A_398 = vector.broadcast %parallel_loop3A_397 : f32 to vector<16xf32>
        %parallel_loop3A_399 = arith.mulf %parallel_loop3A_396, %parallel_loop3A_398 : vector<16xf32>
        %parallel_loop3A_400 = arith.subf %parallel_loop3A_399, %max3A_63 : vector<16xf32>
        %parallel_loop3A_401 = math.exp %parallel_loop3A_400 : vector<16xf32>
        %parallel_loop3A_402 = arith.addf %parallel_loop3A_314, %parallel_loop3A_401 : vector<16xf32>
        %parallel_loop3A_403 = arith.constant 320 : i32
        %parallel_loop3A_404 = arith.addi %parallel_loop3A_174, %parallel_loop3A_403 : i32
        %parallel_loop3A_405 = arith.index_cast %parallel_loop3A_404 : i32 to index
        %parallel_loop3A_406 = tpu.vector_load %arg5[%parallel_loop3A_405] {strides = array<i32>} : memref<32768xf32, #tpu.memory_space<vmem>>, vector<16xf32>,
        %parallel_loop3A_407 = vector.shape_cast %parallel_loop3A_406 : vector<16xf32> to vector<16xf32>
        %parallel_loop3A_408 = arith.constant 1.000000e+01 : f32
        %parallel_loop3A_409 = vector.broadcast %parallel_loop3A_408 : f32 to vector<16xf32>
        %parallel_loop3A_410 = arith.mulf %parallel_loop3A_407, %parallel_loop3A_409 : vector<16xf32>
        %parallel_loop3A_411 = arith.subf %parallel_loop3A_410, %max3A_63 : vector<16xf32>
        %parallel_loop3A_412 = math.exp %parallel_loop3A_411 : vector<16xf32>
        %parallel_loop3A_413 = arith.addf %parallel_loop3A_325, %parallel_loop3A_412 : vector<16xf32>
        %parallel_loop3A_414 = arith.constant 336 : i32
        %parallel_loop3A_415 = arith.addi %parallel_loop3A_174, %parallel_loop3A_414 : i32
        %parallel_loop3A_416 = arith.index_cast %parallel_loop3A_415 : i32 to index
        %parallel_loop3A_417 = tpu.vector_load %arg5[%parallel_loop3A_416] {strides = array<i32>} : memref<32768xf32, #tpu.memory_space<vmem>>, vector<16xf32>,
        %parallel_loop3A_418 = vector.shape_cast %parallel_loop3A_417 : vector<16xf32> to vector<16xf32>
        %parallel_loop3A_419 = arith.constant 1.000000e+01 : f32
        %parallel_loop3A_420 = vector.broadcast %parallel_loop3A_419 : f32 to vector<16xf32>
        %parallel_loop3A_421 = arith.mulf %parallel_loop3A_418, %parallel_loop3A_420 : vector<16xf32>
        %parallel_loop3A_422 = arith.subf %parallel_loop3A_421, %max3A_63 : vector<16xf32>
        %parallel_loop3A_423 = math.exp %parallel_loop3A_422 : vector<16xf32>
        %parallel_loop3A_424 = arith.addf %parallel_loop3A_336, %parallel_loop3A_423 : vector<16xf32>
        %parallel_loop3A_425 = arith.constant 352 : i32
        %parallel_loop3A_426 = arith.addi %parallel_loop3A_174, %parallel_loop3A_425 : i32
        %parallel_loop3A_427 = arith.index_cast %parallel_loop3A_426 : i32 to index
        %parallel_loop3A_428 = tpu.vector_load %arg5[%parallel_loop3A_427] {strides = array<i32>} : memref<32768xf32, #tpu.memory_space<vmem>>, vector<16xf32>,
        %parallel_loop3A_429 = vector.shape_cast %parallel_loop3A_428 : vector<16xf32> to vector<16xf32>
        %parallel_loop3A_430 = arith.constant 1.000000e+01 : f32
        %parallel_loop3A_431 = vector.broadcast %parallel_loop3A_430 : f32 to vector<16xf32>
        %parallel_loop3A_432 = arith.mulf %parallel_loop3A_429, %parallel_loop3A_431 : vector<16xf32>
        %parallel_loop3A_433 = arith.subf %parallel_loop3A_432, %max3A_63 : vector<16xf32>
        %parallel_loop3A_434 = math.exp %parallel_loop3A_433 : vector<16xf32>
        %parallel_loop3A_435 = arith.addf %parallel_loop3A_347, %parallel_loop3A_434 : vector<16xf32>
        %parallel_loop3A_436 = arith.constant 368 : i32
        %parallel_loop3A_437 = arith.addi %parallel_loop3A_174, %parallel_loop3A_436 : i32
        %parallel_loop3A_438 = arith.index_cast %parallel_loop3A_437 : i32 to index
        %parallel_loop3A_439 = tpu.vector_load %arg5[%parallel_loop3A_438] {strides = array<i32>} : memref<32768xf32, #tpu.memory_space<vmem>>, vector<16xf32>,
        %parallel_loop3A_440 = vector.shape_cast %parallel_loop3A_439 : vector<16xf32> to vector<16xf32>
        %parallel_loop3A_441 = arith.constant 1.000000e+01 : f32
        %parallel_loop3A_442 = vector.broadcast %parallel_loop3A_441 : f32 to vector<16xf32>
        %parallel_loop3A_443 = arith.mulf %parallel_loop3A_440, %parallel_loop3A_442 : vector<16xf32>
        %parallel_loop3A_444 = arith.subf %parallel_loop3A_443, %max3A_63 : vector<16xf32>
        %parallel_loop3A_445 = math.exp %parallel_loop3A_444 : vector<16xf32>
        %parallel_loop3A_446 = arith.addf %parallel_loop3A_358, %parallel_loop3A_445 : vector<16xf32>
        %parallel_loop3A_447 = arith.constant 384 : i32
        %parallel_loop3A_448 = arith.addi %parallel_loop3A_174, %parallel_loop3A_447 : i32
        %parallel_loop3A_449 = arith.index_cast %parallel_loop3A_448 : i32 to index
        %parallel_loop3A_450 = tpu.vector_load %arg5[%parallel_loop3A_449] {strides = array<i32>} : memref<32768xf32, #tpu.memory_space<vmem>>, vector<16xf32>,
        %parallel_loop3A_451 = vector.shape_cast %parallel_loop3A_450 : vector<16xf32> to vector<16xf32>
        %parallel_loop3A_452 = arith.constant 1.000000e+01 : f32
        %parallel_loop3A_453 = vector.broadcast %parallel_loop3A_452 : f32 to vector<16xf32>
        %parallel_loop3A_454 = arith.mulf %parallel_loop3A_451, %parallel_loop3A_453 : vector<16xf32>
        %parallel_loop3A_455 = arith.subf %parallel_loop3A_454, %max3A_63 : vector<16xf32>
        %parallel_loop3A_456 = math.exp %parallel_loop3A_455 : vector<16xf32>
        %parallel_loop3A_457 = arith.addf %parallel_loop3A_369, %parallel_loop3A_456 : vector<16xf32>
        %parallel_loop3A_458 = arith.constant 400 : i32
        %parallel_loop3A_459 = arith.addi %parallel_loop3A_174, %parallel_loop3A_458 : i32
        %parallel_loop3A_460 = arith.index_cast %parallel_loop3A_459 : i32 to index
        %parallel_loop3A_461 = tpu.vector_load %arg5[%parallel_loop3A_460] {strides = array<i32>} : memref<32768xf32, #tpu.memory_space<vmem>>, vector<16xf32>,
        %parallel_loop3A_462 = vector.shape_cast %parallel_loop3A_461 : vector<16xf32> to vector<16xf32>
        %parallel_loop3A_463 = arith.constant 1.000000e+01 : f32
        %parallel_loop3A_464 = vector.broadcast %parallel_loop3A_463 : f32 to vector<16xf32>
        %parallel_loop3A_465 = arith.mulf %parallel_loop3A_462, %parallel_loop3A_464 : vector<16xf32>
        %parallel_loop3A_466 = arith.subf %parallel_loop3A_465, %max3A_63 : vector<16xf32>
        %parallel_loop3A_467 = math.exp %parallel_loop3A_466 : vector<16xf32>
        %parallel_loop3A_468 = arith.addf %parallel_loop3A_380, %parallel_loop3A_467 : vector<16xf32>
        %parallel_loop3A_469 = arith.constant 416 : i32
        %parallel_loop3A_470 = arith.addi %parallel_loop3A_174, %parallel_loop3A_469 : i32
        %parallel_loop3A_471 = arith.index_cast %parallel_loop3A_470 : i32 to index
        %parallel_loop3A_472 = tpu.vector_load %arg5[%parallel_loop3A_471] {strides = array<i32>} : memref<32768xf32, #tpu.memory_space<vmem>>, vector<16xf32>,
        %parallel_loop3A_473 = vector.shape_cast %parallel_loop3A_472 : vector<16xf32> to vector<16xf32>
        %parallel_loop3A_474 = arith.constant 1.000000e+01 : f32
        %parallel_loop3A_475 = vector.broadcast %parallel_loop3A_474 : f32 to vector<16xf32>
        %parallel_loop3A_476 = arith.mulf %parallel_loop3A_473, %parallel_loop3A_475 : vector<16xf32>
        %parallel_loop3A_477 = arith.subf %parallel_loop3A_476, %max3A_63 : vector<16xf32>
        %parallel_loop3A_478 = math.exp %parallel_loop3A_477 : vector<16xf32>
        %parallel_loop3A_479 = arith.addf %parallel_loop3A_391, %parallel_loop3A_478 : vector<16xf32>
        %parallel_loop3A_480 = arith.constant 432 : i32
        %parallel_loop3A_481 = arith.addi %parallel_loop3A_174, %parallel_loop3A_480 : i32
        %parallel_loop3A_482 = arith.index_cast %parallel_loop3A_481 : i32 to index
        %parallel_loop3A_483 = tpu.vector_load %arg5[%parallel_loop3A_482] {strides = array<i32>} : memref<32768xf32, #tpu.memory_space<vmem>>, vector<16xf32>,
        %parallel_loop3A_484 = vector.shape_cast %parallel_loop3A_483 : vector<16xf32> to vector<16xf32>
        %parallel_loop3A_485 = arith.constant 1.000000e+01 : f32
        %parallel_loop3A_486 = vector.broadcast %parallel_loop3A_485 : f32 to vector<16xf32>
        %parallel_loop3A_487 = arith.mulf %parallel_loop3A_484, %parallel_loop3A_486 : vector<16xf32>
        %parallel_loop3A_488 = arith.subf %parallel_loop3A_487, %max3A_63 : vector<16xf32>
        %parallel_loop3A_489 = math.exp %parallel_loop3A_488 : vector<16xf32>
        %parallel_loop3A_490 = arith.addf %parallel_loop3A_402, %parallel_loop3A_489 : vector<16xf32>
        %parallel_loop3A_491 = arith.constant 448 : i32
        %parallel_loop3A_492 = arith.addi %parallel_loop3A_174, %parallel_loop3A_491 : i32
        %parallel_loop3A_493 = arith.index_cast %parallel_loop3A_492 : i32 to index
        %parallel_loop3A_494 = tpu.vector_load %arg5[%parallel_loop3A_493] {strides = array<i32>} : memref<32768xf32, #tpu.memory_space<vmem>>, vector<16xf32>,
        %parallel_loop3A_495 = vector.shape_cast %parallel_loop3A_494 : vector<16xf32> to vector<16xf32>
        %parallel_loop3A_496 = arith.constant 1.000000e+01 : f32
        %parallel_loop3A_497 = vector.broadcast %parallel_loop3A_496 : f32 to vector<16xf32>
        %parallel_loop3A_498 = arith.mulf %parallel_loop3A_495, %parallel_loop3A_497 : vector<16xf32>
        %parallel_loop3A_499 = arith.subf %parallel_loop3A_498, %max3A_63 : vector<16xf32>
        %parallel_loop3A_500 = math.exp %parallel_loop3A_499 : vector<16xf32>
        %parallel_loop3A_501 = arith.addf %parallel_loop3A_413, %parallel_loop3A_500 : vector<16xf32>
        %parallel_loop3A_502 = arith.constant 464 : i32
        %parallel_loop3A_503 = arith.addi %parallel_loop3A_174, %parallel_loop3A_502 : i32
        %parallel_loop3A_504 = arith.index_cast %parallel_loop3A_503 : i32 to index
        %parallel_loop3A_505 = tpu.vector_load %arg5[%parallel_loop3A_504] {strides = array<i32>} : memref<32768xf32, #tpu.memory_space<vmem>>, vector<16xf32>,
        %parallel_loop3A_506 = vector.shape_cast %parallel_loop3A_505 : vector<16xf32> to vector<16xf32>
        %parallel_loop3A_507 = arith.constant 1.000000e+01 : f32
        %parallel_loop3A_508 = vector.broadcast %parallel_loop3A_507 : f32 to vector<16xf32>
        %parallel_loop3A_509 = arith.mulf %parallel_loop3A_506, %parallel_loop3A_508 : vector<16xf32>
        %parallel_loop3A_510 = arith.subf %parallel_loop3A_509, %max3A_63 : vector<16xf32>
        %parallel_loop3A_511 = math.exp %parallel_loop3A_510 : vector<16xf32>
        %parallel_loop3A_512 = arith.addf %parallel_loop3A_424, %parallel_loop3A_511 : vector<16xf32>
        %parallel_loop3A_513 = arith.constant 480 : i32
        %parallel_loop3A_514 = arith.addi %parallel_loop3A_174, %parallel_loop3A_513 : i32
        %parallel_loop3A_515 = arith.index_cast %parallel_loop3A_514 : i32 to index
        %parallel_loop3A_516 = tpu.vector_load %arg5[%parallel_loop3A_515] {strides = array<i32>} : memref<32768xf32, #tpu.memory_space<vmem>>, vector<16xf32>,
        %parallel_loop3A_517 = vector.shape_cast %parallel_loop3A_516 : vector<16xf32> to vector<16xf32>
        %parallel_loop3A_518 = arith.constant 1.000000e+01 : f32
        %parallel_loop3A_519 = vector.broadcast %parallel_loop3A_518 : f32 to vector<16xf32>
        %parallel_loop3A_520 = arith.mulf %parallel_loop3A_517, %parallel_loop3A_519 : vector<16xf32>
        %parallel_loop3A_521 = arith.subf %parallel_loop3A_520, %max3A_63 : vector<16xf32>
        %parallel_loop3A_522 = math.exp %parallel_loop3A_521 : vector<16xf32>
        %parallel_loop3A_523 = arith.addf %parallel_loop3A_435, %parallel_loop3A_522 : vector<16xf32>
        %parallel_loop3A_524 = arith.constant 496 : i32
        %parallel_loop3A_525 = arith.addi %parallel_loop3A_174, %parallel_loop3A_524 : i32
        %parallel_loop3A_526 = arith.index_cast %parallel_loop3A_525 : i32 to index
        %parallel_loop3A_527 = tpu.vector_load %arg5[%parallel_loop3A_526] {strides = array<i32>} : memref<32768xf32, #tpu.memory_space<vmem>>, vector<16xf32>,
        %parallel_loop3A_528 = vector.shape_cast %parallel_loop3A_527 : vector<16xf32> to vector<16xf32>
        %parallel_loop3A_529 = arith.constant 1.000000e+01 : f32
        %parallel_loop3A_530 = vector.broadcast %parallel_loop3A_529 : f32 to vector<16xf32>
        %parallel_loop3A_531 = arith.mulf %parallel_loop3A_528, %parallel_loop3A_530 : vector<16xf32>
        %parallel_loop3A_532 = arith.subf %parallel_loop3A_531, %max3A_63 : vector<16xf32>
        %parallel_loop3A_533 = math.exp %parallel_loop3A_532 : vector<16xf32>
        %parallel_loop3A_534 = arith.addf %parallel_loop3A_446, %parallel_loop3A_533 : vector<16xf32>
        scf.yield %parallel_loop3A_457, %parallel_loop3A_468, %parallel_loop3A_479, %parallel_loop3A_490, %parallel_loop3A_501, %parallel_loop3A_512, %parallel_loop3A_523, %parallel_loop3A_534 : vector<16xf32>, vector<16xf32>, vector<16xf32>, vector<16xf32>, vector<16xf32>, vector<16xf32>, vector<16xf32>, vector<16xf32>
      } {sc.loop_unroll_factor = 1 : i64, sc.parallel_access}
      %add3A_84 = arith.addf %parallel_loop3A_83#0, %parallel_loop3A_83#1 : vector<16xf32>
      %add3A_85 = arith.addf %add3A_84, %parallel_loop3A_83#2 : vector<16xf32>
      %add3A_86 = arith.addf %add3A_85, %parallel_loop3A_83#3 : vector<16xf32>
      %add3A_87 = arith.addf %add3A_86, %parallel_loop3A_83#4 : vector<16xf32>
      %add3A_88 = arith.addf %add3A_87, %parallel_loop3A_83#5 : vector<16xf32>
      %add3A_89 = arith.addf %add3A_88, %parallel_loop3A_83#6 : vector<16xf32>
      %add3A_90 = arith.addf %add3A_89, %parallel_loop3A_83#7 : vector<16xf32>
      %sub3A = arith.subf %broadcast_in_dim3A_32, %max3A_63 : vector<16xf32>
      %exp3A = math.exp %sub3A : vector<16xf32>
      %mul3A_91 = arith.mulf %broadcast_in_dim3A_34, %exp3A : vector<16xf32>
      %add3A_92 = arith.addf %mul3A_91, %add3A_90 : vector<16xf32>
      %dma_wait3A_93 = arith.constant 32768 : i32
      %dma_wait3A_94 = tpu.memref_slice %arg2[%add3A_20, %dma_wait3A_93] : memref<4096x65536xf32, #tpu.memory_space<hbm>> -> memref<1x32768xf32, #tpu.memory_space<hbm>>
      %dma_wait3A_95 = tpu.memref_squeeze %dma_wait3A_94 : memref<1x32768xf32, #tpu.memory_space<hbm>> -> memref<32768xf32, #tpu.memory_space<hbm>>
      %dma_wait3A_96 = arith.constant 32768 : i32
      %dma_wait3A_97 = tpu.memref_slice %arg2[%add3A_20, %dma_wait3A_96] : memref<4096x65536xf32, #tpu.memory_space<hbm>> -> memref<1x32768xf32, #tpu.memory_space<hbm>>
      %dma_wait3A_98 = tpu.memref_squeeze %dma_wait3A_97 : memref<1x32768xf32, #tpu.memory_space<hbm>> -> memref<32768xf32, #tpu.memory_space<hbm>>
      tpu.wait_dma2 semaphore(%arg10 : memref<!tpu.dma_semaphore, #tpu.memory_space<semaphore_mem>>) src(%dma_wait3A_98 : memref<32768xf32, #tpu.memory_space<hbm>>) dst(%arg6 : memref<32768xf32, #tpu.memory_space<vmem>>)
      %add3A_99 = arith.constant 1 : i32
      %add3A_100 = arith.addi %scan3A_19, %add3A_99 : i32
      %lt3A = arith.constant 48 : i32
      %lt3A_101 = arith.cmpi slt, %add3A_100, %lt3A : i32
      %convert_element_type3A = arith.extui %lt3A_101 : i1 to i32
      %cond3A = arith.constant 0 : i32
      %cond3A_102 = arith.cmpi ne, %convert_element_type3A, %cond3A : i32
      scf.if %cond3A_102 {
        %add3A_174 = arith.constant 1 : i32
        %add3A_175 = arith.addi %add3A_20, %add3A_174 : i32
        %dma_start3A_176 = arith.constant 0 : i32
        %dma_start3A_177 = tpu.memref_slice %arg2[%add3A_175, %dma_start3A_176] : memref<4096x65536xf32, #tpu.memory_space<hbm>> -> memref<1x32768xf32, #tpu.memory_space<hbm>>
        %dma_start3A_178 = tpu.memref_squeeze %dma_start3A_177 : memref<1x32768xf32, #tpu.memory_space<hbm>> -> memref<32768xf32, #tpu.memory_space<hbm>>
        %dma_start3A_179 = arith.constant 0 : i32
        %dma_start3A_180 = tpu.memref_slice %arg2[%add3A_175, %dma_start3A_179] : memref<4096x65536xf32, #tpu.memory_space<hbm>> -> memref<1x32768xf32, #tpu.memory_space<hbm>>
        %dma_start3A_181 = tpu.memref_squeeze %dma_start3A_180 : memref<1x32768xf32, #tpu.memory_space<hbm>> -> memref<32768xf32, #tpu.memory_space<hbm>>
        tpu.enqueue_dma source(%dma_start3A_181 : memref<32768xf32, #tpu.memory_space<hbm>>) target(%arg5 : memref<32768xf32, #tpu.memory_space<vmem>>) target_semaphore(%arg9 : memref<!tpu.dma_semaphore, #tpu.memory_space<semaphore_mem>>)
      } else {
      }
      %broadcast_in_dim3A_103 = arith.constant -1.000000e+30 : f32
      %broadcast_in_dim3A_104 = vector.broadcast %broadcast_in_dim3A_103 : f32 to vector<16xf32>
      %broadcast_in_dim3A_105 = arith.constant -1.000000e+30 : f32
      %broadcast_in_dim3A_106 = vector.broadcast %broadcast_in_dim3A_105 : f32 to vector<16xf32>
      %broadcast_in_dim3A_107 = arith.constant -1.000000e+30 : f32
      %broadcast_in_dim3A_108 = vector.broadcast %broadcast_in_dim3A_107 : f32 to vector<16xf32>
      %broadcast_in_dim3A_109 = arith.constant -1.000000e+30 : f32
      %broadcast_in_dim3A_110 = vector.broadcast %broadcast_in_dim3A_109 : f32 to vector<16xf32>
      %broadcast_in_dim3A_111 = arith.constant -1.000000e+30 : f32
      %broadcast_in_dim3A_112 = vector.broadcast %broadcast_in_dim3A_111 : f32 to vector<16xf32>
      %broadcast_in_dim3A_113 = arith.constant -1.000000e+30 : f32
      %broadcast_in_dim3A_114 = vector.broadcast %broadcast_in_dim3A_113 : f32 to vector<16xf32>
      %broadcast_in_dim3A_115 = arith.constant -1.000000e+30 : f32
      %broadcast_in_dim3A_116 = vector.broadcast %broadcast_in_dim3A_115 : f32 to vector<16xf32>
      %broadcast_in_dim3A_117 = arith.constant -1.000000e+30 : f32
      %broadcast_in_dim3A_118 = vector.broadcast %broadcast_in_dim3A_117 : f32 to vector<16xf32>
      %parallel_loop3A_119 = arith.constant 0 : i32
      %parallel_loop3A_120 = arith.constant 32768 : i32
      %parallel_loop3A_121 = arith.constant 512 : i32
      %parallel_loop3A_122:8 = scf.for %parallel_loop3A_174 = %parallel_loop3A_119 to %parallel_loop3A_120 step %parallel_loop3A_121 iter_args(%parallel_loop3A_175 = %broadcast_in_dim3A_104, %parallel_loop3A_176 = %broadcast_in_dim3A_106, %parallel_loop3A_177 = %broadcast_in_dim3A_108, %parallel_loop3A_178 = %broadcast_in_dim3A_110, %parallel_loop3A_179 = %broadcast_in_dim3A_112, %parallel_loop3A_180 = %broadcast_in_dim3A_114, %parallel_loop3A_181 = %broadcast_in_dim3A_116, %parallel_loop3A_182 = %broadcast_in_dim3A_118) -> (vector<16xf32>, vector<16xf32>, vector<16xf32>, vector<16xf32>, vector<16xf32>, vector<16xf32>, vector<16xf32>, vector<16xf32>)  : i32 {
        %parallel_loop3A_183 = arith.constant 0 : i32
        %parallel_loop3A_184 = arith.addi %parallel_loop3A_174, %parallel_loop3A_183 : i32
        %parallel_loop3A_185 = arith.index_cast %parallel_loop3A_184 : i32 to index
        %parallel_loop3A_186 = tpu.vector_load %arg6[%parallel_loop3A_185] {strides = array<i32>} : memref<32768xf32, #tpu.memory_space<vmem>>, vector<16xf32>,
        %parallel_loop3A_187 = vector.shape_cast %parallel_loop3A_186 : vector<16xf32> to vector<16xf32>
        %parallel_loop3A_188 = arith.maximumf %parallel_loop3A_175, %parallel_loop3A_187 : vector<16xf32>
        %parallel_loop3A_189 = arith.constant 16 : i32
        %parallel_loop3A_190 = arith.addi %parallel_loop3A_174, %parallel_loop3A_189 : i32
        %parallel_loop3A_191 = arith.index_cast %parallel_loop3A_190 : i32 to index
        %parallel_loop3A_192 = tpu.vector_load %arg6[%parallel_loop3A_191] {strides = array<i32>} : memref<32768xf32, #tpu.memory_space<vmem>>, vector<16xf32>,
        %parallel_loop3A_193 = vector.shape_cast %parallel_loop3A_192 : vector<16xf32> to vector<16xf32>
        %parallel_loop3A_194 = arith.maximumf %parallel_loop3A_176, %parallel_loop3A_193 : vector<16xf32>
        %parallel_loop3A_195 = arith.constant 32 : i32
        %parallel_loop3A_196 = arith.addi %parallel_loop3A_174, %parallel_loop3A_195 : i32
        %parallel_loop3A_197 = arith.index_cast %parallel_loop3A_196 : i32 to index
        %parallel_loop3A_198 = tpu.vector_load %arg6[%parallel_loop3A_197] {strides = array<i32>} : memref<32768xf32, #tpu.memory_space<vmem>>, vector<16xf32>,
        %parallel_loop3A_199 = vector.shape_cast %parallel_loop3A_198 : vector<16xf32> to vector<16xf32>
        %parallel_loop3A_200 = arith.maximumf %parallel_loop3A_177, %parallel_loop3A_199 : vector<16xf32>
        %parallel_loop3A_201 = arith.constant 48 : i32
        %parallel_loop3A_202 = arith.addi %parallel_loop3A_174, %parallel_loop3A_201 : i32
        %parallel_loop3A_203 = arith.index_cast %parallel_loop3A_202 : i32 to index
        %parallel_loop3A_204 = tpu.vector_load %arg6[%parallel_loop3A_203] {strides = array<i32>} : memref<32768xf32, #tpu.memory_space<vmem>>, vector<16xf32>,
        %parallel_loop3A_205 = vector.shape_cast %parallel_loop3A_204 : vector<16xf32> to vector<16xf32>
        %parallel_loop3A_206 = arith.maximumf %parallel_loop3A_178, %parallel_loop3A_205 : vector<16xf32>
        %parallel_loop3A_207 = arith.constant 64 : i32
        %parallel_loop3A_208 = arith.addi %parallel_loop3A_174, %parallel_loop3A_207 : i32
        %parallel_loop3A_209 = arith.index_cast %parallel_loop3A_208 : i32 to index
        %parallel_loop3A_210 = tpu.vector_load %arg6[%parallel_loop3A_209] {strides = array<i32>} : memref<32768xf32, #tpu.memory_space<vmem>>, vector<16xf32>,
        %parallel_loop3A_211 = vector.shape_cast %parallel_loop3A_210 : vector<16xf32> to vector<16xf32>
        %parallel_loop3A_212 = arith.maximumf %parallel_loop3A_179, %parallel_loop3A_211 : vector<16xf32>
        %parallel_loop3A_213 = arith.constant 80 : i32
        %parallel_loop3A_214 = arith.addi %parallel_loop3A_174, %parallel_loop3A_213 : i32
        %parallel_loop3A_215 = arith.index_cast %parallel_loop3A_214 : i32 to index
        %parallel_loop3A_216 = tpu.vector_load %arg6[%parallel_loop3A_215] {strides = array<i32>} : memref<32768xf32, #tpu.memory_space<vmem>>, vector<16xf32>,
        %parallel_loop3A_217 = vector.shape_cast %parallel_loop3A_216 : vector<16xf32> to vector<16xf32>
        %parallel_loop3A_218 = arith.maximumf %parallel_loop3A_180, %parallel_loop3A_217 : vector<16xf32>
        %parallel_loop3A_219 = arith.constant 96 : i32
        %parallel_loop3A_220 = arith.addi %parallel_loop3A_174, %parallel_loop3A_219 : i32
        %parallel_loop3A_221 = arith.index_cast %parallel_loop3A_220 : i32 to index
        %parallel_loop3A_222 = tpu.vector_load %arg6[%parallel_loop3A_221] {strides = array<i32>} : memref<32768xf32, #tpu.memory_space<vmem>>, vector<16xf32>,
        %parallel_loop3A_223 = vector.shape_cast %parallel_loop3A_222 : vector<16xf32> to vector<16xf32>
        %parallel_loop3A_224 = arith.maximumf %parallel_loop3A_181, %parallel_loop3A_223 : vector<16xf32>
        %parallel_loop3A_225 = arith.constant 112 : i32
        %parallel_loop3A_226 = arith.addi %parallel_loop3A_174, %parallel_loop3A_225 : i32
        %parallel_loop3A_227 = arith.index_cast %parallel_loop3A_226 : i32 to index
        %parallel_loop3A_228 = tpu.vector_load %arg6[%parallel_loop3A_227] {strides = array<i32>} : memref<32768xf32, #tpu.memory_space<vmem>>, vector<16xf32>,
        %parallel_loop3A_229 = vector.shape_cast %parallel_loop3A_228 : vector<16xf32> to vector<16xf32>
        %parallel_loop3A_230 = arith.maximumf %parallel_loop3A_182, %parallel_loop3A_229 : vector<16xf32>
        %parallel_loop3A_231 = arith.constant 128 : i32
        %parallel_loop3A_232 = arith.addi %parallel_loop3A_174, %parallel_loop3A_231 : i32
        %parallel_loop3A_233 = arith.index_cast %parallel_loop3A_232 : i32 to index
        %parallel_loop3A_234 = tpu.vector_load %arg6[%parallel_loop3A_233] {strides = array<i32>} : memref<32768xf32, #tpu.memory_space<vmem>>, vector<16xf32>,
        %parallel_loop3A_235 = vector.shape_cast %parallel_loop3A_234 : vector<16xf32> to vector<16xf32>
        %parallel_loop3A_236 = arith.maximumf %parallel_loop3A_188, %parallel_loop3A_235 : vector<16xf32>
        %parallel_loop3A_237 = arith.constant 144 : i32
        %parallel_loop3A_238 = arith.addi %parallel_loop3A_174, %parallel_loop3A_237 : i32
        %parallel_loop3A_239 = arith.index_cast %parallel_loop3A_238 : i32 to index
        %parallel_loop3A_240 = tpu.vector_load %arg6[%parallel_loop3A_239] {strides = array<i32>} : memref<32768xf32, #tpu.memory_space<vmem>>, vector<16xf32>,
        %parallel_loop3A_241 = vector.shape_cast %parallel_loop3A_240 : vector<16xf32> to vector<16xf32>
        %parallel_loop3A_242 = arith.maximumf %parallel_loop3A_194, %parallel_loop3A_241 : vector<16xf32>
        %parallel_loop3A_243 = arith.constant 160 : i32
        %parallel_loop3A_244 = arith.addi %parallel_loop3A_174, %parallel_loop3A_243 : i32
        %parallel_loop3A_245 = arith.index_cast %parallel_loop3A_244 : i32 to index
        %parallel_loop3A_246 = tpu.vector_load %arg6[%parallel_loop3A_245] {strides = array<i32>} : memref<32768xf32, #tpu.memory_space<vmem>>, vector<16xf32>,
        %parallel_loop3A_247 = vector.shape_cast %parallel_loop3A_246 : vector<16xf32> to vector<16xf32>
        %parallel_loop3A_248 = arith.maximumf %parallel_loop3A_200, %parallel_loop3A_247 : vector<16xf32>
        %parallel_loop3A_249 = arith.constant 176 : i32
        %parallel_loop3A_250 = arith.addi %parallel_loop3A_174, %parallel_loop3A_249 : i32
        %parallel_loop3A_251 = arith.index_cast %parallel_loop3A_250 : i32 to index
        %parallel_loop3A_252 = tpu.vector_load %arg6[%parallel_loop3A_251] {strides = array<i32>} : memref<32768xf32, #tpu.memory_space<vmem>>, vector<16xf32>,
        %parallel_loop3A_253 = vector.shape_cast %parallel_loop3A_252 : vector<16xf32> to vector<16xf32>
        %parallel_loop3A_254 = arith.maximumf %parallel_loop3A_206, %parallel_loop3A_253 : vector<16xf32>
        %parallel_loop3A_255 = arith.constant 192 : i32
        %parallel_loop3A_256 = arith.addi %parallel_loop3A_174, %parallel_loop3A_255 : i32
        %parallel_loop3A_257 = arith.index_cast %parallel_loop3A_256 : i32 to index
        %parallel_loop3A_258 = tpu.vector_load %arg6[%parallel_loop3A_257] {strides = array<i32>} : memref<32768xf32, #tpu.memory_space<vmem>>, vector<16xf32>,
        %parallel_loop3A_259 = vector.shape_cast %parallel_loop3A_258 : vector<16xf32> to vector<16xf32>
        %parallel_loop3A_260 = arith.maximumf %parallel_loop3A_212, %parallel_loop3A_259 : vector<16xf32>
        %parallel_loop3A_261 = arith.constant 208 : i32
        %parallel_loop3A_262 = arith.addi %parallel_loop3A_174, %parallel_loop3A_261 : i32
        %parallel_loop3A_263 = arith.index_cast %parallel_loop3A_262 : i32 to index
        %parallel_loop3A_264 = tpu.vector_load %arg6[%parallel_loop3A_263] {strides = array<i32>} : memref<32768xf32, #tpu.memory_space<vmem>>, vector<16xf32>,
        %parallel_loop3A_265 = vector.shape_cast %parallel_loop3A_264 : vector<16xf32> to vector<16xf32>
        %parallel_loop3A_266 = arith.maximumf %parallel_loop3A_218, %parallel_loop3A_265 : vector<16xf32>
        %parallel_loop3A_267 = arith.constant 224 : i32
        %parallel_loop3A_268 = arith.addi %parallel_loop3A_174, %parallel_loop3A_267 : i32
        %parallel_loop3A_269 = arith.index_cast %parallel_loop3A_268 : i32 to index
        %parallel_loop3A_270 = tpu.vector_load %arg6[%parallel_loop3A_269] {strides = array<i32>} : memref<32768xf32, #tpu.memory_space<vmem>>, vector<16xf32>,
        %parallel_loop3A_271 = vector.shape_cast %parallel_loop3A_270 : vector<16xf32> to vector<16xf32>
        %parallel_loop3A_272 = arith.maximumf %parallel_loop3A_224, %parallel_loop3A_271 : vector<16xf32>
        %parallel_loop3A_273 = arith.constant 240 : i32
        %parallel_loop3A_274 = arith.addi %parallel_loop3A_174, %parallel_loop3A_273 : i32
        %parallel_loop3A_275 = arith.index_cast %parallel_loop3A_274 : i32 to index
        %parallel_loop3A_276 = tpu.vector_load %arg6[%parallel_loop3A_275] {strides = array<i32>} : memref<32768xf32, #tpu.memory_space<vmem>>, vector<16xf32>,
        %parallel_loop3A_277 = vector.shape_cast %parallel_loop3A_276 : vector<16xf32> to vector<16xf32>
        %parallel_loop3A_278 = arith.maximumf %parallel_loop3A_230, %parallel_loop3A_277 : vector<16xf32>
        %parallel_loop3A_279 = arith.constant 256 : i32
        %parallel_loop3A_280 = arith.addi %parallel_loop3A_174, %parallel_loop3A_279 : i32
        %parallel_loop3A_281 = arith.index_cast %parallel_loop3A_280 : i32 to index
        %parallel_loop3A_282 = tpu.vector_load %arg6[%parallel_loop3A_281] {strides = array<i32>} : memref<32768xf32, #tpu.memory_space<vmem>>, vector<16xf32>,
        %parallel_loop3A_283 = vector.shape_cast %parallel_loop3A_282 : vector<16xf32> to vector<16xf32>
        %parallel_loop3A_284 = arith.maximumf %parallel_loop3A_236, %parallel_loop3A_283 : vector<16xf32>
        %parallel_loop3A_285 = arith.constant 272 : i32
        %parallel_loop3A_286 = arith.addi %parallel_loop3A_174, %parallel_loop3A_285 : i32
        %parallel_loop3A_287 = arith.index_cast %parallel_loop3A_286 : i32 to index
        %parallel_loop3A_288 = tpu.vector_load %arg6[%parallel_loop3A_287] {strides = array<i32>} : memref<32768xf32, #tpu.memory_space<vmem>>, vector<16xf32>,
        %parallel_loop3A_289 = vector.shape_cast %parallel_loop3A_288 : vector<16xf32> to vector<16xf32>
        %parallel_loop3A_290 = arith.maximumf %parallel_loop3A_242, %parallel_loop3A_289 : vector<16xf32>
        %parallel_loop3A_291 = arith.constant 288 : i32
        %parallel_loop3A_292 = arith.addi %parallel_loop3A_174, %parallel_loop3A_291 : i32
        %parallel_loop3A_293 = arith.index_cast %parallel_loop3A_292 : i32 to index
        %parallel_loop3A_294 = tpu.vector_load %arg6[%parallel_loop3A_293] {strides = array<i32>} : memref<32768xf32, #tpu.memory_space<vmem>>, vector<16xf32>,
        %parallel_loop3A_295 = vector.shape_cast %parallel_loop3A_294 : vector<16xf32> to vector<16xf32>
        %parallel_loop3A_296 = arith.maximumf %parallel_loop3A_248, %parallel_loop3A_295 : vector<16xf32>
        %parallel_loop3A_297 = arith.constant 304 : i32
        %parallel_loop3A_298 = arith.addi %parallel_loop3A_174, %parallel_loop3A_297 : i32
        %parallel_loop3A_299 = arith.index_cast %parallel_loop3A_298 : i32 to index
        %parallel_loop3A_300 = tpu.vector_load %arg6[%parallel_loop3A_299] {strides = array<i32>} : memref<32768xf32, #tpu.memory_space<vmem>>, vector<16xf32>,
        %parallel_loop3A_301 = vector.shape_cast %parallel_loop3A_300 : vector<16xf32> to vector<16xf32>
        %parallel_loop3A_302 = arith.maximumf %parallel_loop3A_254, %parallel_loop3A_301 : vector<16xf32>
        %parallel_loop3A_303 = arith.constant 320 : i32
        %parallel_loop3A_304 = arith.addi %parallel_loop3A_174, %parallel_loop3A_303 : i32
        %parallel_loop3A_305 = arith.index_cast %parallel_loop3A_304 : i32 to index
        %parallel_loop3A_306 = tpu.vector_load %arg6[%parallel_loop3A_305] {strides = array<i32>} : memref<32768xf32, #tpu.memory_space<vmem>>, vector<16xf32>,
        %parallel_loop3A_307 = vector.shape_cast %parallel_loop3A_306 : vector<16xf32> to vector<16xf32>
        %parallel_loop3A_308 = arith.maximumf %parallel_loop3A_260, %parallel_loop3A_307 : vector<16xf32>
        %parallel_loop3A_309 = arith.constant 336 : i32
        %parallel_loop3A_310 = arith.addi %parallel_loop3A_174, %parallel_loop3A_309 : i32
        %parallel_loop3A_311 = arith.index_cast %parallel_loop3A_310 : i32 to index
        %parallel_loop3A_312 = tpu.vector_load %arg6[%parallel_loop3A_311] {strides = array<i32>} : memref<32768xf32, #tpu.memory_space<vmem>>, vector<16xf32>,
        %parallel_loop3A_313 = vector.shape_cast %parallel_loop3A_312 : vector<16xf32> to vector<16xf32>
        %parallel_loop3A_314 = arith.maximumf %parallel_loop3A_266, %parallel_loop3A_313 : vector<16xf32>
        %parallel_loop3A_315 = arith.constant 352 : i32
        %parallel_loop3A_316 = arith.addi %parallel_loop3A_174, %parallel_loop3A_315 : i32
        %parallel_loop3A_317 = arith.index_cast %parallel_loop3A_316 : i32 to index
        %parallel_loop3A_318 = tpu.vector_load %arg6[%parallel_loop3A_317] {strides = array<i32>} : memref<32768xf32, #tpu.memory_space<vmem>>, vector<16xf32>,
        %parallel_loop3A_319 = vector.shape_cast %parallel_loop3A_318 : vector<16xf32> to vector<16xf32>
        %parallel_loop3A_320 = arith.maximumf %parallel_loop3A_272, %parallel_loop3A_319 : vector<16xf32>
        %parallel_loop3A_321 = arith.constant 368 : i32
        %parallel_loop3A_322 = arith.addi %parallel_loop3A_174, %parallel_loop3A_321 : i32
        %parallel_loop3A_323 = arith.index_cast %parallel_loop3A_322 : i32 to index
        %parallel_loop3A_324 = tpu.vector_load %arg6[%parallel_loop3A_323] {strides = array<i32>} : memref<32768xf32, #tpu.memory_space<vmem>>, vector<16xf32>,
        %parallel_loop3A_325 = vector.shape_cast %parallel_loop3A_324 : vector<16xf32> to vector<16xf32>
        %parallel_loop3A_326 = arith.maximumf %parallel_loop3A_278, %parallel_loop3A_325 : vector<16xf32>
        %parallel_loop3A_327 = arith.constant 384 : i32
        %parallel_loop3A_328 = arith.addi %parallel_loop3A_174, %parallel_loop3A_327 : i32
        %parallel_loop3A_329 = arith.index_cast %parallel_loop3A_328 : i32 to index
        %parallel_loop3A_330 = tpu.vector_load %arg6[%parallel_loop3A_329] {strides = array<i32>} : memref<32768xf32, #tpu.memory_space<vmem>>, vector<16xf32>,
        %parallel_loop3A_331 = vector.shape_cast %parallel_loop3A_330 : vector<16xf32> to vector<16xf32>
        %parallel_loop3A_332 = arith.maximumf %parallel_loop3A_284, %parallel_loop3A_331 : vector<16xf32>
        %parallel_loop3A_333 = arith.constant 400 : i32
        %parallel_loop3A_334 = arith.addi %parallel_loop3A_174, %parallel_loop3A_333 : i32
        %parallel_loop3A_335 = arith.index_cast %parallel_loop3A_334 : i32 to index
        %parallel_loop3A_336 = tpu.vector_load %arg6[%parallel_loop3A_335] {strides = array<i32>} : memref<32768xf32, #tpu.memory_space<vmem>>, vector<16xf32>,
        %parallel_loop3A_337 = vector.shape_cast %parallel_loop3A_336 : vector<16xf32> to vector<16xf32>
        %parallel_loop3A_338 = arith.maximumf %parallel_loop3A_290, %parallel_loop3A_337 : vector<16xf32>
        %parallel_loop3A_339 = arith.constant 416 : i32
        %parallel_loop3A_340 = arith.addi %parallel_loop3A_174, %parallel_loop3A_339 : i32
        %parallel_loop3A_341 = arith.index_cast %parallel_loop3A_340 : i32 to index
        %parallel_loop3A_342 = tpu.vector_load %arg6[%parallel_loop3A_341] {strides = array<i32>} : memref<32768xf32, #tpu.memory_space<vmem>>, vector<16xf32>,
        %parallel_loop3A_343 = vector.shape_cast %parallel_loop3A_342 : vector<16xf32> to vector<16xf32>
        %parallel_loop3A_344 = arith.maximumf %parallel_loop3A_296, %parallel_loop3A_343 : vector<16xf32>
        %parallel_loop3A_345 = arith.constant 432 : i32
        %parallel_loop3A_346 = arith.addi %parallel_loop3A_174, %parallel_loop3A_345 : i32
        %parallel_loop3A_347 = arith.index_cast %parallel_loop3A_346 : i32 to index
        %parallel_loop3A_348 = tpu.vector_load %arg6[%parallel_loop3A_347] {strides = array<i32>} : memref<32768xf32, #tpu.memory_space<vmem>>, vector<16xf32>,
        %parallel_loop3A_349 = vector.shape_cast %parallel_loop3A_348 : vector<16xf32> to vector<16xf32>
        %parallel_loop3A_350 = arith.maximumf %parallel_loop3A_302, %parallel_loop3A_349 : vector<16xf32>
        %parallel_loop3A_351 = arith.constant 448 : i32
        %parallel_loop3A_352 = arith.addi %parallel_loop3A_174, %parallel_loop3A_351 : i32
        %parallel_loop3A_353 = arith.index_cast %parallel_loop3A_352 : i32 to index
        %parallel_loop3A_354 = tpu.vector_load %arg6[%parallel_loop3A_353] {strides = array<i32>} : memref<32768xf32, #tpu.memory_space<vmem>>, vector<16xf32>,
        %parallel_loop3A_355 = vector.shape_cast %parallel_loop3A_354 : vector<16xf32> to vector<16xf32>
        %parallel_loop3A_356 = arith.maximumf %parallel_loop3A_308, %parallel_loop3A_355 : vector<16xf32>
        %parallel_loop3A_357 = arith.constant 464 : i32
        %parallel_loop3A_358 = arith.addi %parallel_loop3A_174, %parallel_loop3A_357 : i32
        %parallel_loop3A_359 = arith.index_cast %parallel_loop3A_358 : i32 to index
        %parallel_loop3A_360 = tpu.vector_load %arg6[%parallel_loop3A_359] {strides = array<i32>} : memref<32768xf32, #tpu.memory_space<vmem>>, vector<16xf32>,
        %parallel_loop3A_361 = vector.shape_cast %parallel_loop3A_360 : vector<16xf32> to vector<16xf32>
        %parallel_loop3A_362 = arith.maximumf %parallel_loop3A_314, %parallel_loop3A_361 : vector<16xf32>
        %parallel_loop3A_363 = arith.constant 480 : i32
        %parallel_loop3A_364 = arith.addi %parallel_loop3A_174, %parallel_loop3A_363 : i32
        %parallel_loop3A_365 = arith.index_cast %parallel_loop3A_364 : i32 to index
        %parallel_loop3A_366 = tpu.vector_load %arg6[%parallel_loop3A_365] {strides = array<i32>} : memref<32768xf32, #tpu.memory_space<vmem>>, vector<16xf32>,
        %parallel_loop3A_367 = vector.shape_cast %parallel_loop3A_366 : vector<16xf32> to vector<16xf32>
        %parallel_loop3A_368 = arith.maximumf %parallel_loop3A_320, %parallel_loop3A_367 : vector<16xf32>
        %parallel_loop3A_369 = arith.constant 496 : i32
        %parallel_loop3A_370 = arith.addi %parallel_loop3A_174, %parallel_loop3A_369 : i32
        %parallel_loop3A_371 = arith.index_cast %parallel_loop3A_370 : i32 to index
        %parallel_loop3A_372 = tpu.vector_load %arg6[%parallel_loop3A_371] {strides = array<i32>} : memref<32768xf32, #tpu.memory_space<vmem>>, vector<16xf32>,
        %parallel_loop3A_373 = vector.shape_cast %parallel_loop3A_372 : vector<16xf32> to vector<16xf32>
        %parallel_loop3A_374 = arith.maximumf %parallel_loop3A_326, %parallel_loop3A_373 : vector<16xf32>
        scf.yield %parallel_loop3A_332, %parallel_loop3A_338, %parallel_loop3A_344, %parallel_loop3A_350, %parallel_loop3A_356, %parallel_loop3A_362, %parallel_loop3A_368, %parallel_loop3A_374 : vector<16xf32>, vector<16xf32>, vector<16xf32>, vector<16xf32>, vector<16xf32>, vector<16xf32>, vector<16xf32>, vector<16xf32>
      } {sc.loop_unroll_factor = 1 : i64, sc.parallel_access}
      %max3A_123 = arith.maximumf %parallel_loop3A_122#0, %parallel_loop3A_122#1 : vector<16xf32>
      %max3A_124 = arith.maximumf %max3A_123, %parallel_loop3A_122#2 : vector<16xf32>
      %max3A_125 = arith.maximumf %max3A_124, %parallel_loop3A_122#3 : vector<16xf32>
      %max3A_126 = arith.maximumf %max3A_125, %parallel_loop3A_122#4 : vector<16xf32>
      %max3A_127 = arith.maximumf %max3A_126, %parallel_loop3A_122#5 : vector<16xf32>
      %max3A_128 = arith.maximumf %max3A_127, %parallel_loop3A_122#6 : vector<16xf32>
      %max3A_129 = arith.maximumf %max3A_128, %parallel_loop3A_122#7 : vector<16xf32>
      %mul3A_130 = arith.constant 1.000000e+01 : f32
      %mul3A_131 = vector.broadcast %mul3A_130 : f32 to vector<16xf32>
      %mul3A_132 = arith.mulf %max3A_129, %mul3A_131 : vector<16xf32>
      %max3A_133 = arith.maximumf %max3A_63, %mul3A_132 : vector<16xf32>
      %broadcast_in_dim3A_134 = arith.constant 0.000000e+00 : f32
      %broadcast_in_dim3A_135 = vector.broadcast %broadcast_in_dim3A_134 : f32 to vector<16xf32>
      %broadcast_in_dim3A_136 = arith.constant 0.000000e+00 : f32
      %broadcast_in_dim3A_137 = vector.broadcast %broadcast_in_dim3A_136 : f32 to vector<16xf32>
      %broadcast_in_dim3A_138 = arith.constant 0.000000e+00 : f32
      %broadcast_in_dim3A_139 = vector.broadcast %broadcast_in_dim3A_138 : f32 to vector<16xf32>
      %broadcast_in_dim3A_140 = arith.constant 0.000000e+00 : f32
      %broadcast_in_dim3A_141 = vector.broadcast %broadcast_in_dim3A_140 : f32 to vector<16xf32>
      %broadcast_in_dim3A_142 = arith.constant 0.000000e+00 : f32
      %broadcast_in_dim3A_143 = vector.broadcast %broadcast_in_dim3A_142 : f32 to vector<16xf32>
      %broadcast_in_dim3A_144 = arith.constant 0.000000e+00 : f32
      %broadcast_in_dim3A_145 = vector.broadcast %broadcast_in_dim3A_144 : f32 to vector<16xf32>
      %broadcast_in_dim3A_146 = arith.constant 0.000000e+00 : f32
      %broadcast_in_dim3A_147 = vector.broadcast %broadcast_in_dim3A_146 : f32 to vector<16xf32>
      %broadcast_in_dim3A_148 = arith.constant 0.000000e+00 : f32
      %broadcast_in_dim3A_149 = vector.broadcast %broadcast_in_dim3A_148 : f32 to vector<16xf32>
      %parallel_loop3A_150 = arith.constant 0 : i32
      %parallel_loop3A_151 = arith.constant 32768 : i32
      %parallel_loop3A_152 = arith.constant 512 : i32
      %parallel_loop3A_153:8 = scf.for %parallel_loop3A_174 = %parallel_loop3A_150 to %parallel_loop3A_151 step %parallel_loop3A_152 iter_args(%parallel_loop3A_175 = %broadcast_in_dim3A_135, %parallel_loop3A_176 = %broadcast_in_dim3A_137, %parallel_loop3A_177 = %broadcast_in_dim3A_139, %parallel_loop3A_178 = %broadcast_in_dim3A_141, %parallel_loop3A_179 = %broadcast_in_dim3A_143, %parallel_loop3A_180 = %broadcast_in_dim3A_145, %parallel_loop3A_181 = %broadcast_in_dim3A_147, %parallel_loop3A_182 = %broadcast_in_dim3A_149) -> (vector<16xf32>, vector<16xf32>, vector<16xf32>, vector<16xf32>, vector<16xf32>, vector<16xf32>, vector<16xf32>, vector<16xf32>)  : i32 {
        %parallel_loop3A_183 = arith.constant 0 : i32
        %parallel_loop3A_184 = arith.addi %parallel_loop3A_174, %parallel_loop3A_183 : i32
        %parallel_loop3A_185 = arith.index_cast %parallel_loop3A_184 : i32 to index
        %parallel_loop3A_186 = tpu.vector_load %arg6[%parallel_loop3A_185] {strides = array<i32>} : memref<32768xf32, #tpu.memory_space<vmem>>, vector<16xf32>,
        %parallel_loop3A_187 = vector.shape_cast %parallel_loop3A_186 : vector<16xf32> to vector<16xf32>
        %parallel_loop3A_188 = arith.constant 1.000000e+01 : f32
        %parallel_loop3A_189 = vector.broadcast %parallel_loop3A_188 : f32 to vector<16xf32>
        %parallel_loop3A_190 = arith.mulf %parallel_loop3A_187, %parallel_loop3A_189 : vector<16xf32>
        %parallel_loop3A_191 = arith.subf %parallel_loop3A_190, %max3A_133 : vector<16xf32>
        %parallel_loop3A_192 = math.exp %parallel_loop3A_191 : vector<16xf32>
        %parallel_loop3A_193 = arith.addf %parallel_loop3A_175, %parallel_loop3A_192 : vector<16xf32>
        %parallel_loop3A_194 = arith.constant 16 : i32
        %parallel_loop3A_195 = arith.addi %parallel_loop3A_174, %parallel_loop3A_194 : i32
        %parallel_loop3A_196 = arith.index_cast %parallel_loop3A_195 : i32 to index
        %parallel_loop3A_197 = tpu.vector_load %arg6[%parallel_loop3A_196] {strides = array<i32>} : memref<32768xf32, #tpu.memory_space<vmem>>, vector<16xf32>,
        %parallel_loop3A_198 = vector.shape_cast %parallel_loop3A_197 : vector<16xf32> to vector<16xf32>
        %parallel_loop3A_199 = arith.constant 1.000000e+01 : f32
        %parallel_loop3A_200 = vector.broadcast %parallel_loop3A_199 : f32 to vector<16xf32>
        %parallel_loop3A_201 = arith.mulf %parallel_loop3A_198, %parallel_loop3A_200 : vector<16xf32>
        %parallel_loop3A_202 = arith.subf %parallel_loop3A_201, %max3A_133 : vector<16xf32>
        %parallel_loop3A_203 = math.exp %parallel_loop3A_202 : vector<16xf32>
        %parallel_loop3A_204 = arith.addf %parallel_loop3A_176, %parallel_loop3A_203 : vector<16xf32>
        %parallel_loop3A_205 = arith.constant 32 : i32
        %parallel_loop3A_206 = arith.addi %parallel_loop3A_174, %parallel_loop3A_205 : i32
        %parallel_loop3A_207 = arith.index_cast %parallel_loop3A_206 : i32 to index
        %parallel_loop3A_208 = tpu.vector_load %arg6[%parallel_loop3A_207] {strides = array<i32>} : memref<32768xf32, #tpu.memory_space<vmem>>, vector<16xf32>,
        %parallel_loop3A_209 = vector.shape_cast %parallel_loop3A_208 : vector<16xf32> to vector<16xf32>
        %parallel_loop3A_210 = arith.constant 1.000000e+01 : f32
        %parallel_loop3A_211 = vector.broadcast %parallel_loop3A_210 : f32 to vector<16xf32>
        %parallel_loop3A_212 = arith.mulf %parallel_loop3A_209, %parallel_loop3A_211 : vector<16xf32>
        %parallel_loop3A_213 = arith.subf %parallel_loop3A_212, %max3A_133 : vector<16xf32>
        %parallel_loop3A_214 = math.exp %parallel_loop3A_213 : vector<16xf32>
        %parallel_loop3A_215 = arith.addf %parallel_loop3A_177, %parallel_loop3A_214 : vector<16xf32>
        %parallel_loop3A_216 = arith.constant 48 : i32
        %parallel_loop3A_217 = arith.addi %parallel_loop3A_174, %parallel_loop3A_216 : i32
        %parallel_loop3A_218 = arith.index_cast %parallel_loop3A_217 : i32 to index
        %parallel_loop3A_219 = tpu.vector_load %arg6[%parallel_loop3A_218] {strides = array<i32>} : memref<32768xf32, #tpu.memory_space<vmem>>, vector<16xf32>,
        %parallel_loop3A_220 = vector.shape_cast %parallel_loop3A_219 : vector<16xf32> to vector<16xf32>
        %parallel_loop3A_221 = arith.constant 1.000000e+01 : f32
        %parallel_loop3A_222 = vector.broadcast %parallel_loop3A_221 : f32 to vector<16xf32>
        %parallel_loop3A_223 = arith.mulf %parallel_loop3A_220, %parallel_loop3A_222 : vector<16xf32>
        %parallel_loop3A_224 = arith.subf %parallel_loop3A_223, %max3A_133 : vector<16xf32>
        %parallel_loop3A_225 = math.exp %parallel_loop3A_224 : vector<16xf32>
        %parallel_loop3A_226 = arith.addf %parallel_loop3A_178, %parallel_loop3A_225 : vector<16xf32>
        %parallel_loop3A_227 = arith.constant 64 : i32
        %parallel_loop3A_228 = arith.addi %parallel_loop3A_174, %parallel_loop3A_227 : i32
        %parallel_loop3A_229 = arith.index_cast %parallel_loop3A_228 : i32 to index
        %parallel_loop3A_230 = tpu.vector_load %arg6[%parallel_loop3A_229] {strides = array<i32>} : memref<32768xf32, #tpu.memory_space<vmem>>, vector<16xf32>,
        %parallel_loop3A_231 = vector.shape_cast %parallel_loop3A_230 : vector<16xf32> to vector<16xf32>
        %parallel_loop3A_232 = arith.constant 1.000000e+01 : f32
        %parallel_loop3A_233 = vector.broadcast %parallel_loop3A_232 : f32 to vector<16xf32>
        %parallel_loop3A_234 = arith.mulf %parallel_loop3A_231, %parallel_loop3A_233 : vector<16xf32>
        %parallel_loop3A_235 = arith.subf %parallel_loop3A_234, %max3A_133 : vector<16xf32>
        %parallel_loop3A_236 = math.exp %parallel_loop3A_235 : vector<16xf32>
        %parallel_loop3A_237 = arith.addf %parallel_loop3A_179, %parallel_loop3A_236 : vector<16xf32>
        %parallel_loop3A_238 = arith.constant 80 : i32
        %parallel_loop3A_239 = arith.addi %parallel_loop3A_174, %parallel_loop3A_238 : i32
        %parallel_loop3A_240 = arith.index_cast %parallel_loop3A_239 : i32 to index
        %parallel_loop3A_241 = tpu.vector_load %arg6[%parallel_loop3A_240] {strides = array<i32>} : memref<32768xf32, #tpu.memory_space<vmem>>, vector<16xf32>,
        %parallel_loop3A_242 = vector.shape_cast %parallel_loop3A_241 : vector<16xf32> to vector<16xf32>
        %parallel_loop3A_243 = arith.constant 1.000000e+01 : f32
        %parallel_loop3A_244 = vector.broadcast %parallel_loop3A_243 : f32 to vector<16xf32>
        %parallel_loop3A_245 = arith.mulf %parallel_loop3A_242, %parallel_loop3A_244 : vector<16xf32>
        %parallel_loop3A_246 = arith.subf %parallel_loop3A_245, %max3A_133 : vector<16xf32>
        %parallel_loop3A_247 = math.exp %parallel_loop3A_246 : vector<16xf32>
        %parallel_loop3A_248 = arith.addf %parallel_loop3A_180, %parallel_loop3A_247 : vector<16xf32>
        %parallel_loop3A_249 = arith.constant 96 : i32
        %parallel_loop3A_250 = arith.addi %parallel_loop3A_174, %parallel_loop3A_249 : i32
        %parallel_loop3A_251 = arith.index_cast %parallel_loop3A_250 : i32 to index
        %parallel_loop3A_252 = tpu.vector_load %arg6[%parallel_loop3A_251] {strides = array<i32>} : memref<32768xf32, #tpu.memory_space<vmem>>, vector<16xf32>,
        %parallel_loop3A_253 = vector.shape_cast %parallel_loop3A_252 : vector<16xf32> to vector<16xf32>
        %parallel_loop3A_254 = arith.constant 1.000000e+01 : f32
        %parallel_loop3A_255 = vector.broadcast %parallel_loop3A_254 : f32 to vector<16xf32>
        %parallel_loop3A_256 = arith.mulf %parallel_loop3A_253, %parallel_loop3A_255 : vector<16xf32>
        %parallel_loop3A_257 = arith.subf %parallel_loop3A_256, %max3A_133 : vector<16xf32>
        %parallel_loop3A_258 = math.exp %parallel_loop3A_257 : vector<16xf32>
        %parallel_loop3A_259 = arith.addf %parallel_loop3A_181, %parallel_loop3A_258 : vector<16xf32>
        %parallel_loop3A_260 = arith.constant 112 : i32
        %parallel_loop3A_261 = arith.addi %parallel_loop3A_174, %parallel_loop3A_260 : i32
        %parallel_loop3A_262 = arith.index_cast %parallel_loop3A_261 : i32 to index
        %parallel_loop3A_263 = tpu.vector_load %arg6[%parallel_loop3A_262] {strides = array<i32>} : memref<32768xf32, #tpu.memory_space<vmem>>, vector<16xf32>,
        %parallel_loop3A_264 = vector.shape_cast %parallel_loop3A_263 : vector<16xf32> to vector<16xf32>
        %parallel_loop3A_265 = arith.constant 1.000000e+01 : f32
        %parallel_loop3A_266 = vector.broadcast %parallel_loop3A_265 : f32 to vector<16xf32>
        %parallel_loop3A_267 = arith.mulf %parallel_loop3A_264, %parallel_loop3A_266 : vector<16xf32>
        %parallel_loop3A_268 = arith.subf %parallel_loop3A_267, %max3A_133 : vector<16xf32>
        %parallel_loop3A_269 = math.exp %parallel_loop3A_268 : vector<16xf32>
        %parallel_loop3A_270 = arith.addf %parallel_loop3A_182, %parallel_loop3A_269 : vector<16xf32>
        %parallel_loop3A_271 = arith.constant 128 : i32
        %parallel_loop3A_272 = arith.addi %parallel_loop3A_174, %parallel_loop3A_271 : i32
        %parallel_loop3A_273 = arith.index_cast %parallel_loop3A_272 : i32 to index
        %parallel_loop3A_274 = tpu.vector_load %arg6[%parallel_loop3A_273] {strides = array<i32>} : memref<32768xf32, #tpu.memory_space<vmem>>, vector<16xf32>,
        %parallel_loop3A_275 = vector.shape_cast %parallel_loop3A_274 : vector<16xf32> to vector<16xf32>
        %parallel_loop3A_276 = arith.constant 1.000000e+01 : f32
        %parallel_loop3A_277 = vector.broadcast %parallel_loop3A_276 : f32 to vector<16xf32>
        %parallel_loop3A_278 = arith.mulf %parallel_loop3A_275, %parallel_loop3A_277 : vector<16xf32>
        %parallel_loop3A_279 = arith.subf %parallel_loop3A_278, %max3A_133 : vector<16xf32>
        %parallel_loop3A_280 = math.exp %parallel_loop3A_279 : vector<16xf32>
        %parallel_loop3A_281 = arith.addf %parallel_loop3A_193, %parallel_loop3A_280 : vector<16xf32>
        %parallel_loop3A_282 = arith.constant 144 : i32
        %parallel_loop3A_283 = arith.addi %parallel_loop3A_174, %parallel_loop3A_282 : i32
        %parallel_loop3A_284 = arith.index_cast %parallel_loop3A_283 : i32 to index
        %parallel_loop3A_285 = tpu.vector_load %arg6[%parallel_loop3A_284] {strides = array<i32>} : memref<32768xf32, #tpu.memory_space<vmem>>, vector<16xf32>,
        %parallel_loop3A_286 = vector.shape_cast %parallel_loop3A_285 : vector<16xf32> to vector<16xf32>
        %parallel_loop3A_287 = arith.constant 1.000000e+01 : f32
        %parallel_loop3A_288 = vector.broadcast %parallel_loop3A_287 : f32 to vector<16xf32>
        %parallel_loop3A_289 = arith.mulf %parallel_loop3A_286, %parallel_loop3A_288 : vector<16xf32>
        %parallel_loop3A_290 = arith.subf %parallel_loop3A_289, %max3A_133 : vector<16xf32>
        %parallel_loop3A_291 = math.exp %parallel_loop3A_290 : vector<16xf32>
        %parallel_loop3A_292 = arith.addf %parallel_loop3A_204, %parallel_loop3A_291 : vector<16xf32>
        %parallel_loop3A_293 = arith.constant 160 : i32
        %parallel_loop3A_294 = arith.addi %parallel_loop3A_174, %parallel_loop3A_293 : i32
        %parallel_loop3A_295 = arith.index_cast %parallel_loop3A_294 : i32 to index
        %parallel_loop3A_296 = tpu.vector_load %arg6[%parallel_loop3A_295] {strides = array<i32>} : memref<32768xf32, #tpu.memory_space<vmem>>, vector<16xf32>,
        %parallel_loop3A_297 = vector.shape_cast %parallel_loop3A_296 : vector<16xf32> to vector<16xf32>
        %parallel_loop3A_298 = arith.constant 1.000000e+01 : f32
        %parallel_loop3A_299 = vector.broadcast %parallel_loop3A_298 : f32 to vector<16xf32>
        %parallel_loop3A_300 = arith.mulf %parallel_loop3A_297, %parallel_loop3A_299 : vector<16xf32>
        %parallel_loop3A_301 = arith.subf %parallel_loop3A_300, %max3A_133 : vector<16xf32>
        %parallel_loop3A_302 = math.exp %parallel_loop3A_301 : vector<16xf32>
        %parallel_loop3A_303 = arith.addf %parallel_loop3A_215, %parallel_loop3A_302 : vector<16xf32>
        %parallel_loop3A_304 = arith.constant 176 : i32
        %parallel_loop3A_305 = arith.addi %parallel_loop3A_174, %parallel_loop3A_304 : i32
        %parallel_loop3A_306 = arith.index_cast %parallel_loop3A_305 : i32 to index
        %parallel_loop3A_307 = tpu.vector_load %arg6[%parallel_loop3A_306] {strides = array<i32>} : memref<32768xf32, #tpu.memory_space<vmem>>, vector<16xf32>,
        %parallel_loop3A_308 = vector.shape_cast %parallel_loop3A_307 : vector<16xf32> to vector<16xf32>
        %parallel_loop3A_309 = arith.constant 1.000000e+01 : f32
        %parallel_loop3A_310 = vector.broadcast %parallel_loop3A_309 : f32 to vector<16xf32>
        %parallel_loop3A_311 = arith.mulf %parallel_loop3A_308, %parallel_loop3A_310 : vector<16xf32>
        %parallel_loop3A_312 = arith.subf %parallel_loop3A_311, %max3A_133 : vector<16xf32>
        %parallel_loop3A_313 = math.exp %parallel_loop3A_312 : vector<16xf32>
        %parallel_loop3A_314 = arith.addf %parallel_loop3A_226, %parallel_loop3A_313 : vector<16xf32>
        %parallel_loop3A_315 = arith.constant 192 : i32
        %parallel_loop3A_316 = arith.addi %parallel_loop3A_174, %parallel_loop3A_315 : i32
        %parallel_loop3A_317 = arith.index_cast %parallel_loop3A_316 : i32 to index
        %parallel_loop3A_318 = tpu.vector_load %arg6[%parallel_loop3A_317] {strides = array<i32>} : memref<32768xf32, #tpu.memory_space<vmem>>, vector<16xf32>,
        %parallel_loop3A_319 = vector.shape_cast %parallel_loop3A_318 : vector<16xf32> to vector<16xf32>
        %parallel_loop3A_320 = arith.constant 1.000000e+01 : f32
        %parallel_loop3A_321 = vector.broadcast %parallel_loop3A_320 : f32 to vector<16xf32>
        %parallel_loop3A_322 = arith.mulf %parallel_loop3A_319, %parallel_loop3A_321 : vector<16xf32>
        %parallel_loop3A_323 = arith.subf %parallel_loop3A_322, %max3A_133 : vector<16xf32>
        %parallel_loop3A_324 = math.exp %parallel_loop3A_323 : vector<16xf32>
        %parallel_loop3A_325 = arith.addf %parallel_loop3A_237, %parallel_loop3A_324 : vector<16xf32>
        %parallel_loop3A_326 = arith.constant 208 : i32
        %parallel_loop3A_327 = arith.addi %parallel_loop3A_174, %parallel_loop3A_326 : i32
        %parallel_loop3A_328 = arith.index_cast %parallel_loop3A_327 : i32 to index
        %parallel_loop3A_329 = tpu.vector_load %arg6[%parallel_loop3A_328] {strides = array<i32>} : memref<32768xf32, #tpu.memory_space<vmem>>, vector<16xf32>,
        %parallel_loop3A_330 = vector.shape_cast %parallel_loop3A_329 : vector<16xf32> to vector<16xf32>
        %parallel_loop3A_331 = arith.constant 1.000000e+01 : f32
        %parallel_loop3A_332 = vector.broadcast %parallel_loop3A_331 : f32 to vector<16xf32>
        %parallel_loop3A_333 = arith.mulf %parallel_loop3A_330, %parallel_loop3A_332 : vector<16xf32>
        %parallel_loop3A_334 = arith.subf %parallel_loop3A_333, %max3A_133 : vector<16xf32>
        %parallel_loop3A_335 = math.exp %parallel_loop3A_334 : vector<16xf32>
        %parallel_loop3A_336 = arith.addf %parallel_loop3A_248, %parallel_loop3A_335 : vector<16xf32>
        %parallel_loop3A_337 = arith.constant 224 : i32
        %parallel_loop3A_338 = arith.addi %parallel_loop3A_174, %parallel_loop3A_337 : i32
        %parallel_loop3A_339 = arith.index_cast %parallel_loop3A_338 : i32 to index
        %parallel_loop3A_340 = tpu.vector_load %arg6[%parallel_loop3A_339] {strides = array<i32>} : memref<32768xf32, #tpu.memory_space<vmem>>, vector<16xf32>,
        %parallel_loop3A_341 = vector.shape_cast %parallel_loop3A_340 : vector<16xf32> to vector<16xf32>
        %parallel_loop3A_342 = arith.constant 1.000000e+01 : f32
        %parallel_loop3A_343 = vector.broadcast %parallel_loop3A_342 : f32 to vector<16xf32>
        %parallel_loop3A_344 = arith.mulf %parallel_loop3A_341, %parallel_loop3A_343 : vector<16xf32>
        %parallel_loop3A_345 = arith.subf %parallel_loop3A_344, %max3A_133 : vector<16xf32>
        %parallel_loop3A_346 = math.exp %parallel_loop3A_345 : vector<16xf32>
        %parallel_loop3A_347 = arith.addf %parallel_loop3A_259, %parallel_loop3A_346 : vector<16xf32>
        %parallel_loop3A_348 = arith.constant 240 : i32
        %parallel_loop3A_349 = arith.addi %parallel_loop3A_174, %parallel_loop3A_348 : i32
        %parallel_loop3A_350 = arith.index_cast %parallel_loop3A_349 : i32 to index
        %parallel_loop3A_351 = tpu.vector_load %arg6[%parallel_loop3A_350] {strides = array<i32>} : memref<32768xf32, #tpu.memory_space<vmem>>, vector<16xf32>,
        %parallel_loop3A_352 = vector.shape_cast %parallel_loop3A_351 : vector<16xf32> to vector<16xf32>
        %parallel_loop3A_353 = arith.constant 1.000000e+01 : f32
        %parallel_loop3A_354 = vector.broadcast %parallel_loop3A_353 : f32 to vector<16xf32>
        %parallel_loop3A_355 = arith.mulf %parallel_loop3A_352, %parallel_loop3A_354 : vector<16xf32>
        %parallel_loop3A_356 = arith.subf %parallel_loop3A_355, %max3A_133 : vector<16xf32>
        %parallel_loop3A_357 = math.exp %parallel_loop3A_356 : vector<16xf32>
        %parallel_loop3A_358 = arith.addf %parallel_loop3A_270, %parallel_loop3A_357 : vector<16xf32>
        %parallel_loop3A_359 = arith.constant 256 : i32
        %parallel_loop3A_360 = arith.addi %parallel_loop3A_174, %parallel_loop3A_359 : i32
        %parallel_loop3A_361 = arith.index_cast %parallel_loop3A_360 : i32 to index
        %parallel_loop3A_362 = tpu.vector_load %arg6[%parallel_loop3A_361] {strides = array<i32>} : memref<32768xf32, #tpu.memory_space<vmem>>, vector<16xf32>,
        %parallel_loop3A_363 = vector.shape_cast %parallel_loop3A_362 : vector<16xf32> to vector<16xf32>
        %parallel_loop3A_364 = arith.constant 1.000000e+01 : f32
        %parallel_loop3A_365 = vector.broadcast %parallel_loop3A_364 : f32 to vector<16xf32>
        %parallel_loop3A_366 = arith.mulf %parallel_loop3A_363, %parallel_loop3A_365 : vector<16xf32>
        %parallel_loop3A_367 = arith.subf %parallel_loop3A_366, %max3A_133 : vector<16xf32>
        %parallel_loop3A_368 = math.exp %parallel_loop3A_367 : vector<16xf32>
        %parallel_loop3A_369 = arith.addf %parallel_loop3A_281, %parallel_loop3A_368 : vector<16xf32>
        %parallel_loop3A_370 = arith.constant 272 : i32
        %parallel_loop3A_371 = arith.addi %parallel_loop3A_174, %parallel_loop3A_370 : i32
        %parallel_loop3A_372 = arith.index_cast %parallel_loop3A_371 : i32 to index
        %parallel_loop3A_373 = tpu.vector_load %arg6[%parallel_loop3A_372] {strides = array<i32>} : memref<32768xf32, #tpu.memory_space<vmem>>, vector<16xf32>,
        %parallel_loop3A_374 = vector.shape_cast %parallel_loop3A_373 : vector<16xf32> to vector<16xf32>
        %parallel_loop3A_375 = arith.constant 1.000000e+01 : f32
        %parallel_loop3A_376 = vector.broadcast %parallel_loop3A_375 : f32 to vector<16xf32>
        %parallel_loop3A_377 = arith.mulf %parallel_loop3A_374, %parallel_loop3A_376 : vector<16xf32>
        %parallel_loop3A_378 = arith.subf %parallel_loop3A_377, %max3A_133 : vector<16xf32>
        %parallel_loop3A_379 = math.exp %parallel_loop3A_378 : vector<16xf32>
        %parallel_loop3A_380 = arith.addf %parallel_loop3A_292, %parallel_loop3A_379 : vector<16xf32>
        %parallel_loop3A_381 = arith.constant 288 : i32
        %parallel_loop3A_382 = arith.addi %parallel_loop3A_174, %parallel_loop3A_381 : i32
        %parallel_loop3A_383 = arith.index_cast %parallel_loop3A_382 : i32 to index
        %parallel_loop3A_384 = tpu.vector_load %arg6[%parallel_loop3A_383] {strides = array<i32>} : memref<32768xf32, #tpu.memory_space<vmem>>, vector<16xf32>,
        %parallel_loop3A_385 = vector.shape_cast %parallel_loop3A_384 : vector<16xf32> to vector<16xf32>
        %parallel_loop3A_386 = arith.constant 1.000000e+01 : f32
        %parallel_loop3A_387 = vector.broadcast %parallel_loop3A_386 : f32 to vector<16xf32>
        %parallel_loop3A_388 = arith.mulf %parallel_loop3A_385, %parallel_loop3A_387 : vector<16xf32>
        %parallel_loop3A_389 = arith.subf %parallel_loop3A_388, %max3A_133 : vector<16xf32>
        %parallel_loop3A_390 = math.exp %parallel_loop3A_389 : vector<16xf32>
        %parallel_loop3A_391 = arith.addf %parallel_loop3A_303, %parallel_loop3A_390 : vector<16xf32>
        %parallel_loop3A_392 = arith.constant 304 : i32
        %parallel_loop3A_393 = arith.addi %parallel_loop3A_174, %parallel_loop3A_392 : i32
        %parallel_loop3A_394 = arith.index_cast %parallel_loop3A_393 : i32 to index
        %parallel_loop3A_395 = tpu.vector_load %arg6[%parallel_loop3A_394] {strides = array<i32>} : memref<32768xf32, #tpu.memory_space<vmem>>, vector<16xf32>,
        %parallel_loop3A_396 = vector.shape_cast %parallel_loop3A_395 : vector<16xf32> to vector<16xf32>
        %parallel_loop3A_397 = arith.constant 1.000000e+01 : f32
        %parallel_loop3A_398 = vector.broadcast %parallel_loop3A_397 : f32 to vector<16xf32>
        %parallel_loop3A_399 = arith.mulf %parallel_loop3A_396, %parallel_loop3A_398 : vector<16xf32>
        %parallel_loop3A_400 = arith.subf %parallel_loop3A_399, %max3A_133 : vector<16xf32>
        %parallel_loop3A_401 = math.exp %parallel_loop3A_400 : vector<16xf32>
        %parallel_loop3A_402 = arith.addf %parallel_loop3A_314, %parallel_loop3A_401 : vector<16xf32>
        %parallel_loop3A_403 = arith.constant 320 : i32
        %parallel_loop3A_404 = arith.addi %parallel_loop3A_174, %parallel_loop3A_403 : i32
        %parallel_loop3A_405 = arith.index_cast %parallel_loop3A_404 : i32 to index
        %parallel_loop3A_406 = tpu.vector_load %arg6[%parallel_loop3A_405] {strides = array<i32>} : memref<32768xf32, #tpu.memory_space<vmem>>, vector<16xf32>,
        %parallel_loop3A_407 = vector.shape_cast %parallel_loop3A_406 : vector<16xf32> to vector<16xf32>
        %parallel_loop3A_408 = arith.constant 1.000000e+01 : f32
        %parallel_loop3A_409 = vector.broadcast %parallel_loop3A_408 : f32 to vector<16xf32>
        %parallel_loop3A_410 = arith.mulf %parallel_loop3A_407, %parallel_loop3A_409 : vector<16xf32>
        %parallel_loop3A_411 = arith.subf %parallel_loop3A_410, %max3A_133 : vector<16xf32>
        %parallel_loop3A_412 = math.exp %parallel_loop3A_411 : vector<16xf32>
        %parallel_loop3A_413 = arith.addf %parallel_loop3A_325, %parallel_loop3A_412 : vector<16xf32>
        %parallel_loop3A_414 = arith.constant 336 : i32
        %parallel_loop3A_415 = arith.addi %parallel_loop3A_174, %parallel_loop3A_414 : i32
        %parallel_loop3A_416 = arith.index_cast %parallel_loop3A_415 : i32 to index
        %parallel_loop3A_417 = tpu.vector_load %arg6[%parallel_loop3A_416] {strides = array<i32>} : memref<32768xf32, #tpu.memory_space<vmem>>, vector<16xf32>,
        %parallel_loop3A_418 = vector.shape_cast %parallel_loop3A_417 : vector<16xf32> to vector<16xf32>
        %parallel_loop3A_419 = arith.constant 1.000000e+01 : f32
        %parallel_loop3A_420 = vector.broadcast %parallel_loop3A_419 : f32 to vector<16xf32>
        %parallel_loop3A_421 = arith.mulf %parallel_loop3A_418, %parallel_loop3A_420 : vector<16xf32>
        %parallel_loop3A_422 = arith.subf %parallel_loop3A_421, %max3A_133 : vector<16xf32>
        %parallel_loop3A_423 = math.exp %parallel_loop3A_422 : vector<16xf32>
        %parallel_loop3A_424 = arith.addf %parallel_loop3A_336, %parallel_loop3A_423 : vector<16xf32>
        %parallel_loop3A_425 = arith.constant 352 : i32
        %parallel_loop3A_426 = arith.addi %parallel_loop3A_174, %parallel_loop3A_425 : i32
        %parallel_loop3A_427 = arith.index_cast %parallel_loop3A_426 : i32 to index
        %parallel_loop3A_428 = tpu.vector_load %arg6[%parallel_loop3A_427] {strides = array<i32>} : memref<32768xf32, #tpu.memory_space<vmem>>, vector<16xf32>,
        %parallel_loop3A_429 = vector.shape_cast %parallel_loop3A_428 : vector<16xf32> to vector<16xf32>
        %parallel_loop3A_430 = arith.constant 1.000000e+01 : f32
        %parallel_loop3A_431 = vector.broadcast %parallel_loop3A_430 : f32 to vector<16xf32>
        %parallel_loop3A_432 = arith.mulf %parallel_loop3A_429, %parallel_loop3A_431 : vector<16xf32>
        %parallel_loop3A_433 = arith.subf %parallel_loop3A_432, %max3A_133 : vector<16xf32>
        %parallel_loop3A_434 = math.exp %parallel_loop3A_433 : vector<16xf32>
        %parallel_loop3A_435 = arith.addf %parallel_loop3A_347, %parallel_loop3A_434 : vector<16xf32>
        %parallel_loop3A_436 = arith.constant 368 : i32
        %parallel_loop3A_437 = arith.addi %parallel_loop3A_174, %parallel_loop3A_436 : i32
        %parallel_loop3A_438 = arith.index_cast %parallel_loop3A_437 : i32 to index
        %parallel_loop3A_439 = tpu.vector_load %arg6[%parallel_loop3A_438] {strides = array<i32>} : memref<32768xf32, #tpu.memory_space<vmem>>, vector<16xf32>,
        %parallel_loop3A_440 = vector.shape_cast %parallel_loop3A_439 : vector<16xf32> to vector<16xf32>
        %parallel_loop3A_441 = arith.constant 1.000000e+01 : f32
        %parallel_loop3A_442 = vector.broadcast %parallel_loop3A_441 : f32 to vector<16xf32>
        %parallel_loop3A_443 = arith.mulf %parallel_loop3A_440, %parallel_loop3A_442 : vector<16xf32>
        %parallel_loop3A_444 = arith.subf %parallel_loop3A_443, %max3A_133 : vector<16xf32>
        %parallel_loop3A_445 = math.exp %parallel_loop3A_444 : vector<16xf32>
        %parallel_loop3A_446 = arith.addf %parallel_loop3A_358, %parallel_loop3A_445 : vector<16xf32>
        %parallel_loop3A_447 = arith.constant 384 : i32
        %parallel_loop3A_448 = arith.addi %parallel_loop3A_174, %parallel_loop3A_447 : i32
        %parallel_loop3A_449 = arith.index_cast %parallel_loop3A_448 : i32 to index
        %parallel_loop3A_450 = tpu.vector_load %arg6[%parallel_loop3A_449] {strides = array<i32>} : memref<32768xf32, #tpu.memory_space<vmem>>, vector<16xf32>,
        %parallel_loop3A_451 = vector.shape_cast %parallel_loop3A_450 : vector<16xf32> to vector<16xf32>
        %parallel_loop3A_452 = arith.constant 1.000000e+01 : f32
        %parallel_loop3A_453 = vector.broadcast %parallel_loop3A_452 : f32 to vector<16xf32>
        %parallel_loop3A_454 = arith.mulf %parallel_loop3A_451, %parallel_loop3A_453 : vector<16xf32>
        %parallel_loop3A_455 = arith.subf %parallel_loop3A_454, %max3A_133 : vector<16xf32>
        %parallel_loop3A_456 = math.exp %parallel_loop3A_455 : vector<16xf32>
        %parallel_loop3A_457 = arith.addf %parallel_loop3A_369, %parallel_loop3A_456 : vector<16xf32>
        %parallel_loop3A_458 = arith.constant 400 : i32
        %parallel_loop3A_459 = arith.addi %parallel_loop3A_174, %parallel_loop3A_458 : i32
        %parallel_loop3A_460 = arith.index_cast %parallel_loop3A_459 : i32 to index
        %parallel_loop3A_461 = tpu.vector_load %arg6[%parallel_loop3A_460] {strides = array<i32>} : memref<32768xf32, #tpu.memory_space<vmem>>, vector<16xf32>,
        %parallel_loop3A_462 = vector.shape_cast %parallel_loop3A_461 : vector<16xf32> to vector<16xf32>
        %parallel_loop3A_463 = arith.constant 1.000000e+01 : f32
        %parallel_loop3A_464 = vector.broadcast %parallel_loop3A_463 : f32 to vector<16xf32>
        %parallel_loop3A_465 = arith.mulf %parallel_loop3A_462, %parallel_loop3A_464 : vector<16xf32>
        %parallel_loop3A_466 = arith.subf %parallel_loop3A_465, %max3A_133 : vector<16xf32>
        %parallel_loop3A_467 = math.exp %parallel_loop3A_466 : vector<16xf32>
        %parallel_loop3A_468 = arith.addf %parallel_loop3A_380, %parallel_loop3A_467 : vector<16xf32>
        %parallel_loop3A_469 = arith.constant 416 : i32
        %parallel_loop3A_470 = arith.addi %parallel_loop3A_174, %parallel_loop3A_469 : i32
        %parallel_loop3A_471 = arith.index_cast %parallel_loop3A_470 : i32 to index
        %parallel_loop3A_472 = tpu.vector_load %arg6[%parallel_loop3A_471] {strides = array<i32>} : memref<32768xf32, #tpu.memory_space<vmem>>, vector<16xf32>,
        %parallel_loop3A_473 = vector.shape_cast %parallel_loop3A_472 : vector<16xf32> to vector<16xf32>
        %parallel_loop3A_474 = arith.constant 1.000000e+01 : f32
        %parallel_loop3A_475 = vector.broadcast %parallel_loop3A_474 : f32 to vector<16xf32>
        %parallel_loop3A_476 = arith.mulf %parallel_loop3A_473, %parallel_loop3A_475 : vector<16xf32>
        %parallel_loop3A_477 = arith.subf %parallel_loop3A_476, %max3A_133 : vector<16xf32>
        %parallel_loop3A_478 = math.exp %parallel_loop3A_477 : vector<16xf32>
        %parallel_loop3A_479 = arith.addf %parallel_loop3A_391, %parallel_loop3A_478 : vector<16xf32>
        %parallel_loop3A_480 = arith.constant 432 : i32
        %parallel_loop3A_481 = arith.addi %parallel_loop3A_174, %parallel_loop3A_480 : i32
        %parallel_loop3A_482 = arith.index_cast %parallel_loop3A_481 : i32 to index
        %parallel_loop3A_483 = tpu.vector_load %arg6[%parallel_loop3A_482] {strides = array<i32>} : memref<32768xf32, #tpu.memory_space<vmem>>, vector<16xf32>,
        %parallel_loop3A_484 = vector.shape_cast %parallel_loop3A_483 : vector<16xf32> to vector<16xf32>
        %parallel_loop3A_485 = arith.constant 1.000000e+01 : f32
        %parallel_loop3A_486 = vector.broadcast %parallel_loop3A_485 : f32 to vector<16xf32>
        %parallel_loop3A_487 = arith.mulf %parallel_loop3A_484, %parallel_loop3A_486 : vector<16xf32>
        %parallel_loop3A_488 = arith.subf %parallel_loop3A_487, %max3A_133 : vector<16xf32>
        %parallel_loop3A_489 = math.exp %parallel_loop3A_488 : vector<16xf32>
        %parallel_loop3A_490 = arith.addf %parallel_loop3A_402, %parallel_loop3A_489 : vector<16xf32>
        %parallel_loop3A_491 = arith.constant 448 : i32
        %parallel_loop3A_492 = arith.addi %parallel_loop3A_174, %parallel_loop3A_491 : i32
        %parallel_loop3A_493 = arith.index_cast %parallel_loop3A_492 : i32 to index
        %parallel_loop3A_494 = tpu.vector_load %arg6[%parallel_loop3A_493] {strides = array<i32>} : memref<32768xf32, #tpu.memory_space<vmem>>, vector<16xf32>,
        %parallel_loop3A_495 = vector.shape_cast %parallel_loop3A_494 : vector<16xf32> to vector<16xf32>
        %parallel_loop3A_496 = arith.constant 1.000000e+01 : f32
        %parallel_loop3A_497 = vector.broadcast %parallel_loop3A_496 : f32 to vector<16xf32>
        %parallel_loop3A_498 = arith.mulf %parallel_loop3A_495, %parallel_loop3A_497 : vector<16xf32>
        %parallel_loop3A_499 = arith.subf %parallel_loop3A_498, %max3A_133 : vector<16xf32>
        %parallel_loop3A_500 = math.exp %parallel_loop3A_499 : vector<16xf32>
        %parallel_loop3A_501 = arith.addf %parallel_loop3A_413, %parallel_loop3A_500 : vector<16xf32>
        %parallel_loop3A_502 = arith.constant 464 : i32
        %parallel_loop3A_503 = arith.addi %parallel_loop3A_174, %parallel_loop3A_502 : i32
        %parallel_loop3A_504 = arith.index_cast %parallel_loop3A_503 : i32 to index
        %parallel_loop3A_505 = tpu.vector_load %arg6[%parallel_loop3A_504] {strides = array<i32>} : memref<32768xf32, #tpu.memory_space<vmem>>, vector<16xf32>,
        %parallel_loop3A_506 = vector.shape_cast %parallel_loop3A_505 : vector<16xf32> to vector<16xf32>
        %parallel_loop3A_507 = arith.constant 1.000000e+01 : f32
        %parallel_loop3A_508 = vector.broadcast %parallel_loop3A_507 : f32 to vector<16xf32>
        %parallel_loop3A_509 = arith.mulf %parallel_loop3A_506, %parallel_loop3A_508 : vector<16xf32>
        %parallel_loop3A_510 = arith.subf %parallel_loop3A_509, %max3A_133 : vector<16xf32>
        %parallel_loop3A_511 = math.exp %parallel_loop3A_510 : vector<16xf32>
        %parallel_loop3A_512 = arith.addf %parallel_loop3A_424, %parallel_loop3A_511 : vector<16xf32>
        %parallel_loop3A_513 = arith.constant 480 : i32
        %parallel_loop3A_514 = arith.addi %parallel_loop3A_174, %parallel_loop3A_513 : i32
        %parallel_loop3A_515 = arith.index_cast %parallel_loop3A_514 : i32 to index
        %parallel_loop3A_516 = tpu.vector_load %arg6[%parallel_loop3A_515] {strides = array<i32>} : memref<32768xf32, #tpu.memory_space<vmem>>, vector<16xf32>,
        %parallel_loop3A_517 = vector.shape_cast %parallel_loop3A_516 : vector<16xf32> to vector<16xf32>
        %parallel_loop3A_518 = arith.constant 1.000000e+01 : f32
        %parallel_loop3A_519 = vector.broadcast %parallel_loop3A_518 : f32 to vector<16xf32>
        %parallel_loop3A_520 = arith.mulf %parallel_loop3A_517, %parallel_loop3A_519 : vector<16xf32>
        %parallel_loop3A_521 = arith.subf %parallel_loop3A_520, %max3A_133 : vector<16xf32>
        %parallel_loop3A_522 = math.exp %parallel_loop3A_521 : vector<16xf32>
        %parallel_loop3A_523 = arith.addf %parallel_loop3A_435, %parallel_loop3A_522 : vector<16xf32>
        %parallel_loop3A_524 = arith.constant 496 : i32
        %parallel_loop3A_525 = arith.addi %parallel_loop3A_174, %parallel_loop3A_524 : i32
        %parallel_loop3A_526 = arith.index_cast %parallel_loop3A_525 : i32 to index
        %parallel_loop3A_527 = tpu.vector_load %arg6[%parallel_loop3A_526] {strides = array<i32>} : memref<32768xf32, #tpu.memory_space<vmem>>, vector<16xf32>,
        %parallel_loop3A_528 = vector.shape_cast %parallel_loop3A_527 : vector<16xf32> to vector<16xf32>
        %parallel_loop3A_529 = arith.constant 1.000000e+01 : f32
        %parallel_loop3A_530 = vector.broadcast %parallel_loop3A_529 : f32 to vector<16xf32>
        %parallel_loop3A_531 = arith.mulf %parallel_loop3A_528, %parallel_loop3A_530 : vector<16xf32>
        %parallel_loop3A_532 = arith.subf %parallel_loop3A_531, %max3A_133 : vector<16xf32>
        %parallel_loop3A_533 = math.exp %parallel_loop3A_532 : vector<16xf32>
        %parallel_loop3A_534 = arith.addf %parallel_loop3A_446, %parallel_loop3A_533 : vector<16xf32>
        scf.yield %parallel_loop3A_457, %parallel_loop3A_468, %parallel_loop3A_479, %parallel_loop3A_490, %parallel_loop3A_501, %parallel_loop3A_512, %parallel_loop3A_523, %parallel_loop3A_534 : vector<16xf32>, vector<16xf32>, vector<16xf32>, vector<16xf32>, vector<16xf32>, vector<16xf32>, vector<16xf32>, vector<16xf32>
      } {sc.loop_unroll_factor = 1 : i64, sc.parallel_access}
      %add3A_154 = arith.addf %parallel_loop3A_153#0, %parallel_loop3A_153#1 : vector<16xf32>
      %add3A_155 = arith.addf %add3A_154, %parallel_loop3A_153#2 : vector<16xf32>
      %add3A_156 = arith.addf %add3A_155, %parallel_loop3A_153#3 : vector<16xf32>
      %add3A_157 = arith.addf %add3A_156, %parallel_loop3A_153#4 : vector<16xf32>
      %add3A_158 = arith.addf %add3A_157, %parallel_loop3A_153#5 : vector<16xf32>
      %add3A_159 = arith.addf %add3A_158, %parallel_loop3A_153#6 : vector<16xf32>
      %add3A_160 = arith.addf %add3A_159, %parallel_loop3A_153#7 : vector<16xf32>
      %sub3A_161 = arith.subf %max3A_63, %max3A_133 : vector<16xf32>
      %exp3A_162 = math.exp %sub3A_161 : vector<16xf32>
      %mul3A_163 = arith.mulf %add3A_92, %exp3A_162 : vector<16xf32>
      %add3A_164 = arith.addf %mul3A_163, %add3A_160 : vector<16xf32>
      %swap3A = arith.index_cast %scan3A_19 : i32 to index
      %swap3A_165 = arith.constant 0 : index
      %swap3A_166 = tpu.vector_load %arg7[%swap3A, %swap3A_165] {strides = array<i32>} : memref<48x16xf32, #tpu.memory_space<vmem>>, vector<1x16xf32>,
      %swap3A_167 = vector.shape_cast %swap3A_166 : vector<1x16xf32> to vector<16xf32>
      %swap3A_168 = vector.shape_cast %max3A_133 : vector<16xf32> to vector<1x16xf32>
      tpu.vector_store %arg7[%swap3A, %swap3A_165], %swap3A_168 {strides = array<i32>} : memref<48x16xf32, #tpu.memory_space<vmem>>, vector<1x16xf32>,
      %swap3A_169 = arith.index_cast %scan3A_19 : i32 to index
      %swap3A_170 = arith.constant 0 : index
      %swap3A_171 = tpu.vector_load %arg8[%swap3A_169, %swap3A_170] {strides = array<i32>} : memref<48x16xf32, #tpu.memory_space<vmem>>, vector<1x16xf32>,
      %swap3A_172 = vector.shape_cast %swap3A_171 : vector<1x16xf32> to vector<16xf32>
      %swap3A_173 = vector.shape_cast %add3A_164 : vector<16xf32> to vector<1x16xf32>
      tpu.vector_store %arg8[%swap3A_169, %swap3A_170], %swap3A_173 {strides = array<i32>} : memref<48x16xf32, #tpu.memory_space<vmem>>, vector<1x16xf32>,
    }
    %scan3A_14 = arith.constant 48 : i32
    %mul3A_15 = arith.constant 48 : i32
    %mul3A_16 = arith.muli %add3A, %mul3A_15 : i32
    "tpu.region"() ({
      %run_scoped3A = tpu.sem_alloc : memref<!tpu.dma_semaphore, #tpu.memory_space<semaphore_mem>>
      %dma_start3A_19 = arith.constant 0 : i32
      %dma_start3A_20 = tpu.memref_slice %arg3[%mul3A_16, %dma_start3A_19] : memref<1536x16xf32, #tpu.memory_space<hbm>> -> memref<48x16xf32, #tpu.memory_space<hbm>>
      %dma_start3A_21 = arith.constant 0 : i32
      %dma_start3A_22 = tpu.memref_slice %arg3[%mul3A_16, %dma_start3A_21] : memref<1536x16xf32, #tpu.memory_space<hbm>> -> memref<48x16xf32, #tpu.memory_space<hbm>>
      tpu.enqueue_dma source(%arg7 : memref<48x16xf32, #tpu.memory_space<vmem>>) target(%dma_start3A_22 : memref<48x16xf32, #tpu.memory_space<hbm>>) target_semaphore(%run_scoped3A : memref<!tpu.dma_semaphore, #tpu.memory_space<semaphore_mem>>)
      %dma_wait3A = arith.constant 0 : i32
      %dma_wait3A_23 = tpu.memref_slice %arg3[%mul3A_16, %dma_wait3A] : memref<1536x16xf32, #tpu.memory_space<hbm>> -> memref<48x16xf32, #tpu.memory_space<hbm>>
      %dma_wait3A_24 = arith.constant 0 : i32
      %dma_wait3A_25 = tpu.memref_slice %arg3[%mul3A_16, %dma_wait3A_24] : memref<1536x16xf32, #tpu.memory_space<hbm>> -> memref<48x16xf32, #tpu.memory_space<hbm>>
      tpu.wait_dma2 semaphore(%run_scoped3A : memref<!tpu.dma_semaphore, #tpu.memory_space<semaphore_mem>>) src(%arg7 : memref<48x16xf32, #tpu.memory_space<vmem>>) dst(%dma_wait3A_25 : memref<48x16xf32, #tpu.memory_space<hbm>>)
      tpu.yield
    }) : () -> ()
    %mul3A_17 = arith.constant 48 : i32
    %mul3A_18 = arith.muli %add3A, %mul3A_17 : i32
    "tpu.region"() ({
      %run_scoped3A = tpu.sem_alloc : memref<!tpu.dma_semaphore, #tpu.memory_space<semaphore_mem>>
      %dma_start3A_19 = arith.constant 0 : i32
      %dma_start3A_20 = tpu.memref_slice %arg4[%mul3A_18, %dma_start3A_19] : memref<1536x16xf32, #tpu.memory_space<hbm>> -> memref<48x16xf32, #tpu.memory_space<hbm>>
      %dma_start3A_21 = arith.constant 0 : i32
      %dma_start3A_22 = tpu.memref_slice %arg4[%mul3A_18, %dma_start3A_21] : memref<1536x16xf32, #tpu.memory_space<hbm>> -> memref<48x16xf32, #tpu.memory_space<hbm>>
      tpu.enqueue_dma source(%arg8 : memref<48x16xf32, #tpu.memory_space<vmem>>) target(%dma_start3A_22 : memref<48x16xf32, #tpu.memory_space<hbm>>) target_semaphore(%run_scoped3A : memref<!tpu.dma_semaphore, #tpu.memory_space<semaphore_mem>>)
      %dma_wait3A = arith.constant 0 : i32
      %dma_wait3A_23 = tpu.memref_slice %arg4[%mul3A_18, %dma_wait3A] : memref<1536x16xf32, #tpu.memory_space<hbm>> -> memref<48x16xf32, #tpu.memory_space<hbm>>
      %dma_wait3A_24 = arith.constant 0 : i32
      %dma_wait3A_25 = tpu.memref_slice %arg4[%mul3A_18, %dma_wait3A_24] : memref<1536x16xf32, #tpu.memory_space<hbm>> -> memref<48x16xf32, #tpu.memory_space<hbm>>
      tpu.wait_dma2 semaphore(%run_scoped3A : memref<!tpu.dma_semaphore, #tpu.memory_space<semaphore_mem>>) src(%arg8 : memref<48x16xf32, #tpu.memory_space<vmem>>) dst(%dma_wait3A_25 : memref<48x16xf32, #tpu.memory_space<hbm>>)
      tpu.yield
    }) : () -> ()
    return
  }
}

module attributes {stable_mosaic.version = 14 : i64} {
  func.func @_finish_kernel(%arg0: memref<1536x1xf32, #tpu.memory_space<vmem>>, %arg1: memref<1536x16xf32, #tpu.memory_space<vmem>>, %arg2: memref<1536x16xf32, #tpu.memory_space<vmem>>, %arg3: memref<1x1xf32, #tpu.memory_space<vmem>>, %arg4: memref<1x1xf32, #tpu.memory_space<vmem>>) attributes {dimension_semantics = [], scalar_prefetch = 0 : i64, scratch_operands = 0 : i64, tpu.core_type = #tpu.core_type<tc>} {
    %get3A = arith.constant 0 : index
    %get3A_0 = arith.constant 0 : index
    %get3A_1 = vector.load %arg0[%get3A, %get3A_0] : memref<1536x1xf32, #tpu.memory_space<vmem>>, vector<1536x1xf32>
    %mul3A = arith.constant 1.000000e+01 : f32
    %mul3A_2 = vector.broadcast %mul3A : f32 to vector<1536x1xf32>
    %mul3A_3 = arith.mulf %get3A_1, %mul3A_2 : vector<1536x1xf32>
    %get3A_4 = arith.constant 0 : index
    %get3A_5 = arith.constant 0 : index
    %get3A_6 = vector.load %arg1[%get3A_4, %get3A_5] : memref<1536x16xf32, #tpu.memory_space<vmem>>, vector<1536x16xf32>
    %get3A_7 = arith.constant 0 : index
    %get3A_8 = arith.constant 0 : index
    %get3A_9 = vector.load %arg2[%get3A_7, %get3A_8] : memref<1536x16xf32, #tpu.memory_space<vmem>>, vector<1536x16xf32>
    %reduce_max3A = arith.constant dense<0xFF800000> : vector<1536xf32>
    %reduce_max3A_10 = vector.multi_reduction <maximumf>, %get3A_6, %reduce_max3A [1] : vector<1536x16xf32> to vector<1536xf32>
    %broadcast_in_dim3A = vector.shape_cast %reduce_max3A_10 : vector<1536xf32> to vector<1536x1xf32>
    %max3A = arith.maximumf %broadcast_in_dim3A, %mul3A_3 : vector<1536x1xf32>
    %sub3A = vector.broadcast %max3A : vector<1536x1xf32> to vector<1536x16xf32>
    %sub3A_11 = arith.subf %get3A_6, %sub3A : vector<1536x16xf32>
    %exp3A = math.exp %sub3A_11 : vector<1536x16xf32>
    %mul3A_12 = arith.mulf %get3A_9, %exp3A : vector<1536x16xf32>
    %reduce_sum3A = arith.constant dense<0.000000e+00> : vector<1536xf32>
    %reduce_sum3A_13 = vector.multi_reduction <add>, %mul3A_12, %reduce_sum3A [1] : vector<1536x16xf32> to vector<1536xf32>
    %broadcast_in_dim3A_14 = vector.shape_cast %reduce_sum3A_13 : vector<1536xf32> to vector<1536x1xf32>
    %sub3A_15 = arith.subf %mul3A_3, %max3A : vector<1536x1xf32>
    %exp3A_16 = math.exp %sub3A_15 : vector<1536x1xf32>
    %add3A = arith.addf %broadcast_in_dim3A_14, %exp3A_16 : vector<1536x1xf32>
    %log3A = math.log %add3A : vector<1536x1xf32>
    %add3A_17 = arith.addf %max3A, %log3A : vector<1536x1xf32>
    %sub3A_18 = arith.subf %add3A_17, %mul3A_3 : vector<1536x1xf32>
    %reduce_sum3A_19 = vector.shape_cast %sub3A_18 : vector<1536x1xf32> to vector<1x1536x1xf32>
    %reduce_sum3A_20 = arith.constant dense<0.000000e+00> : vector<1xf32>
    %reduce_sum3A_21 = vector.multi_reduction <add>, %reduce_sum3A_19, %reduce_sum3A_20 [1, 2] : vector<1x1536x1xf32> to vector<1xf32>
    %reduce_sum3A_22 = vector.shape_cast %reduce_sum3A_21 : vector<1xf32> to vector<1x1x1xf32>
    %reduce_sum3A_23 = vector.extract %reduce_sum3A_22[0, 0, 0] : f32 from vector<1x1x1xf32>
    %get3A_24 = arith.constant 0 : index
    %get3A_25 = arith.constant 0 : index
    %get3A_26 = vector.load %arg3[%get3A_24, %get3A_25] : memref<1x1xf32, #tpu.memory_space<vmem>>, vector<1x1xf32>
    %get3A_27 = vector.extract %get3A_26[0, 0] : f32 from vector<1x1xf32>
    %add3A_28 = arith.addf %reduce_sum3A_23, %get3A_27 : f32
    %div3A = arith.constant 4.096000e+03 : f32
    %div3A_29 = arith.divf %add3A_28, %div3A : f32
    %broadcast_in_dim3A_30 = vector.broadcast %div3A_29 : f32 to vector<1x1xf32>
    %swap3A = arith.constant 0 : index
    %swap3A_31 = arith.constant 0 : index
    %swap3A_32 = vector.load %arg4[%swap3A, %swap3A_31] : memref<1x1xf32, #tpu.memory_space<vmem>>, vector<1x1xf32>
    tpu.vector_store %arg4[%swap3A, %swap3A_31], %broadcast_in_dim3A_30 {strides = array<i32>} : memref<1x1xf32, #tpu.memory_space<vmem>>, vector<1x1xf32>,
    return
  }
}

module attributes {stable_mosaic.version = 14 : i64} {
  func.func @_tc_partial_kernel(%arg0: i32, %arg1: i32, %arg2: memref<256x1xf32, #tpu.memory_space<vmem>>, %arg3: memref<256x4096xf32, #tpu.memory_space<vmem>>, %arg4: memref<1x1xf32, #tpu.memory_space<vmem>>, %arg5: memref<256x1xf32, #tpu.memory_space<vmem>>, %arg6: memref<256x1xf32, #tpu.memory_space<vmem>>, %arg7: memref<1x1xf32, #tpu.memory_space<smem>>) attributes {dimension_semantics = [#tpu.dimension_semantics<arbitrary>, #tpu.dimension_semantics<arbitrary>], iteration_bounds = array<i64: 10, 16>, scalar_prefetch = 0 : i64, scratch_operands = 3 : i64, tpu.core_type = #tpu.core_type<tc>, window_params = [{transform_indices = @transform_0, window_bounds = array<i64: 256, 1>}, {transform_indices = @transform_1, window_bounds = array<i64: 256, 4096>}, {pipeline_mode = #tpu.pipeline_mode<synchronous>, transform_indices = @transform_2, window_bounds = array<i64: 1, 1>}]} {
    %eq3A = arith.constant 0 : i32
    %eq3A_0 = arith.cmpi eq, %arg0, %eq3A : i32
    %eq3A_1 = arith.constant 0 : i32
    %eq3A_2 = arith.cmpi eq, %arg1, %eq3A_1 : i32
    %and3A = arith.andi %eq3A_0, %eq3A_2 : i1
    %convert_element_type3A = arith.extui %and3A : i1 to i32
    %cond3A = arith.constant 0 : i32
    %cond3A_3 = arith.cmpi ne, %convert_element_type3A, %cond3A : i32
    scf.if %cond3A_3 {
      %swap3A_42 = arith.constant 0.000000e+00 : f32
      %swap3A_43 = arith.constant 0 : index
      %swap3A_44 = arith.constant 0 : index
      %swap3A_45 = memref.load %arg7[%swap3A_43, %swap3A_44] : memref<1x1xf32, #tpu.memory_space<smem>>
      memref.store %swap3A_42, %arg7[%swap3A_43, %swap3A_44] : memref<1x1xf32, #tpu.memory_space<smem>>
    } else {
    }
    %get3A = arith.constant 0 : index
    %get3A_4 = arith.constant 0 : index
    %get3A_5 = vector.load %arg2[%get3A, %get3A_4] : memref<256x1xf32, #tpu.memory_space<vmem>>, vector<256x1xf32>
    %mul3A = arith.constant 1.000000e+01 : f32
    %mul3A_6 = vector.broadcast %mul3A : f32 to vector<256x1xf32>
    %mul3A_7 = arith.mulf %get3A_5, %mul3A_6 : vector<256x1xf32>
    %eq3A_8 = arith.constant 0 : i32
    %eq3A_9 = arith.cmpi eq, %arg1, %eq3A_8 : i32
    %convert_element_type3A_10 = arith.extui %eq3A_9 : i1 to i32
    %cond3A_11 = arith.constant 0 : i32
    %cond3A_12 = arith.cmpi ne, %convert_element_type3A_10, %cond3A_11 : i32
    scf.if %cond3A_12 {
      %swap3A_42 = arith.constant 0 : index
      %swap3A_43 = arith.constant 0 : index
      %swap3A_44 = vector.load %arg5[%swap3A_42, %swap3A_43] : memref<256x1xf32, #tpu.memory_space<vmem>>, vector<256x1xf32>
      tpu.vector_store %arg5[%swap3A_42, %swap3A_43], %mul3A_7 {strides = array<i32>} : memref<256x1xf32, #tpu.memory_space<vmem>>, vector<256x1xf32>,
      %broadcast_in_dim3A_45 = arith.constant 1.000000e+00 : f32
      %broadcast_in_dim3A_46 = vector.broadcast %broadcast_in_dim3A_45 : f32 to vector<256x1xf32>
      %swap3A_47 = arith.constant 0 : index
      %swap3A_48 = arith.constant 0 : index
      %swap3A_49 = vector.load %arg6[%swap3A_47, %swap3A_48] : memref<256x1xf32, #tpu.memory_space<vmem>>, vector<256x1xf32>
      tpu.vector_store %arg6[%swap3A_47, %swap3A_48], %broadcast_in_dim3A_46 {strides = array<i32>} : memref<256x1xf32, #tpu.memory_space<vmem>>, vector<256x1xf32>,
    } else {
    }
    %get3A_13 = arith.constant 0 : index
    %get3A_14 = arith.constant 0 : index
    %get3A_15 = vector.load %arg3[%get3A_13, %get3A_14] : memref<256x4096xf32, #tpu.memory_space<vmem>>, vector<256x4096xf32>
    %mul3A_16 = arith.constant 1.000000e+01 : f32
    %mul3A_17 = vector.broadcast %mul3A_16 : f32 to vector<256x4096xf32>
    %mul3A_18 = arith.mulf %get3A_15, %mul3A_17 : vector<256x4096xf32>
    %reduce_max3A = arith.constant dense<0xFF800000> : vector<256xf32>
    %reduce_max3A_19 = vector.multi_reduction <maximumf>, %mul3A_18, %reduce_max3A [1] : vector<256x4096xf32> to vector<256xf32>
    %broadcast_in_dim3A = vector.shape_cast %reduce_max3A_19 : vector<256xf32> to vector<256x1xf32>
    %get3A_20 = arith.constant 0 : index
    %get3A_21 = arith.constant 0 : index
    %get3A_22 = vector.load %arg5[%get3A_20, %get3A_21] : memref<256x1xf32, #tpu.memory_space<vmem>>, vector<256x1xf32>
    %max3A = arith.maximumf %get3A_22, %broadcast_in_dim3A : vector<256x1xf32>
    %get3A_23 = arith.constant 0 : index
    %get3A_24 = arith.constant 0 : index
    %get3A_25 = vector.load %arg6[%get3A_23, %get3A_24] : memref<256x1xf32, #tpu.memory_space<vmem>>, vector<256x1xf32>
    %sub3A = arith.subf %get3A_22, %max3A : vector<256x1xf32>
    %exp3A = math.exp %sub3A : vector<256x1xf32>
    %mul3A_26 = arith.mulf %get3A_25, %exp3A : vector<256x1xf32>
    %sub3A_27 = vector.broadcast %max3A : vector<256x1xf32> to vector<256x4096xf32>
    %sub3A_28 = arith.subf %mul3A_18, %sub3A_27 : vector<256x4096xf32>
    %exp3A_29 = math.exp %sub3A_28 : vector<256x4096xf32>
    %reduce_sum3A = arith.constant dense<0.000000e+00> : vector<256xf32>
    %reduce_sum3A_30 = vector.multi_reduction <add>, %exp3A_29, %reduce_sum3A [1] : vector<256x4096xf32> to vector<256xf32>
    %broadcast_in_dim3A_31 = vector.shape_cast %reduce_sum3A_30 : vector<256xf32> to vector<256x1xf32>
    %add3A = arith.addf %mul3A_26, %broadcast_in_dim3A_31 : vector<256x1xf32>
    %swap3A = arith.constant 0 : index
    %swap3A_32 = arith.constant 0 : index
    %swap3A_33 = vector.load %arg6[%swap3A, %swap3A_32] : memref<256x1xf32, #tpu.memory_space<vmem>>, vector<256x1xf32>
    tpu.vector_store %arg6[%swap3A, %swap3A_32], %add3A {strides = array<i32>} : memref<256x1xf32, #tpu.memory_space<vmem>>, vector<256x1xf32>,
    %swap3A_34 = arith.constant 0 : index
    %swap3A_35 = arith.constant 0 : index
    %swap3A_36 = vector.load %arg5[%swap3A_34, %swap3A_35] : memref<256x1xf32, #tpu.memory_space<vmem>>, vector<256x1xf32>
    tpu.vector_store %arg5[%swap3A_34, %swap3A_35], %max3A {strides = array<i32>} : memref<256x1xf32, #tpu.memory_space<vmem>>, vector<256x1xf32>,
    %eq3A_37 = arith.constant 15 : i32
    %eq3A_38 = arith.cmpi eq, %arg1, %eq3A_37 : i32
    %convert_element_type3A_39 = arith.extui %eq3A_38 : i1 to i32
    %cond3A_40 = arith.constant 0 : i32
    %cond3A_41 = arith.cmpi ne, %convert_element_type3A_39, %cond3A_40 : i32
    scf.if %cond3A_41 {
      %get3A_42 = arith.constant 0 : index
      %get3A_43 = arith.constant 0 : index
      %get3A_44 = vector.load %arg5[%get3A_42, %get3A_43] : memref<256x1xf32, #tpu.memory_space<vmem>>, vector<256x1xf32>
      %get3A_45 = arith.constant 0 : index
      %get3A_46 = arith.constant 0 : index
      %get3A_47 = vector.load %arg6[%get3A_45, %get3A_46] : memref<256x1xf32, #tpu.memory_space<vmem>>, vector<256x1xf32>
      %log3A = math.log %get3A_47 : vector<256x1xf32>
      %add3A_48 = arith.addf %get3A_44, %log3A : vector<256x1xf32>
      %get3A_49 = arith.constant 0 : index
      %get3A_50 = arith.constant 0 : index
      %get3A_51 = memref.load %arg7[%get3A_49, %get3A_50] : memref<1x1xf32, #tpu.memory_space<smem>>
      %sub3A_52 = arith.subf %add3A_48, %mul3A_7 : vector<256x1xf32>
      %reduce_sum3A_53 = vector.shape_cast %sub3A_52 : vector<256x1xf32> to vector<1x256x1xf32>
      %reduce_sum3A_54 = arith.constant dense<0.000000e+00> : vector<1xf32>
      %reduce_sum3A_55 = vector.multi_reduction <add>, %reduce_sum3A_53, %reduce_sum3A_54 [1, 2] : vector<1x256x1xf32> to vector<1xf32>
      %reduce_sum3A_56 = vector.shape_cast %reduce_sum3A_55 : vector<1xf32> to vector<1x1x1xf32>
      %reduce_sum3A_57 = vector.extract %reduce_sum3A_56[0, 0, 0] : f32 from vector<1x1x1xf32>
      %add3A_58 = arith.addf %get3A_51, %reduce_sum3A_57 : f32
      %swap3A_59 = arith.constant 0 : index
      %swap3A_60 = arith.constant 0 : index
      %swap3A_61 = memref.load %arg7[%swap3A_59, %swap3A_60] : memref<1x1xf32, #tpu.memory_space<smem>>
      memref.store %add3A_58, %arg7[%swap3A_59, %swap3A_60] : memref<1x1xf32, #tpu.memory_space<smem>>
      %eq3A_62 = arith.constant 9 : i32
      %eq3A_63 = arith.cmpi eq, %arg0, %eq3A_62 : i32
      %convert_element_type3A_64 = arith.extui %eq3A_63 : i1 to i32
      %cond3A_65 = arith.constant 0 : i32
      %cond3A_66 = arith.cmpi ne, %convert_element_type3A_64, %cond3A_65 : i32
      scf.if %cond3A_66 {
        %get3A_67 = arith.constant 0 : index
        %get3A_68 = arith.constant 0 : index
        %get3A_69 = memref.load %arg7[%get3A_67, %get3A_68] : memref<1x1xf32, #tpu.memory_space<smem>>
        %broadcast_in_dim3A_70 = vector.broadcast %get3A_69 : f32 to vector<1x1xf32>
        %swap3A_71 = arith.constant 0 : index
        %swap3A_72 = arith.constant 0 : index
        %swap3A_73 = vector.load %arg4[%swap3A_71, %swap3A_72] : memref<1x1xf32, #tpu.memory_space<vmem>>, vector<1x1xf32>
        tpu.vector_store %arg4[%swap3A_71, %swap3A_72], %broadcast_in_dim3A_70 {strides = array<i32>} : memref<1x1xf32, #tpu.memory_space<vmem>>, vector<1x1xf32>,
      } else {
      }
    } else {
    }
    return
  }
  func.func @transform_0(%arg0: i32, %arg1: i32) -> (i32, i32) {
    %c0_i32 = arith.constant 0 : i32
    %c0_i32_0 = arith.constant 0 : i32
    return %arg0, %c0_i32 : i32, i32
  }
  func.func @transform_1(%arg0: i32, %arg1: i32) -> (i32, i32) {
    %c0_i32 = arith.constant 0 : i32
    return %arg0, %arg1 : i32, i32
  }
  func.func @transform_2(%arg0: i32, %arg1: i32) -> (i32, i32) {
    %c0_i32 = arith.constant 0 : i32
    %c0_i32_0 = arith.constant 0 : i32
    %c0_i32_1 = arith.constant 0 : i32
    return %c0_i32, %c0_i32_0 : i32, i32
  }
}

</mosaic_0001>

<sc_bundles>
// kernel: kernel.5.cloned.1.call-start
scs
__scs_entry_jumppad:
0x0: {  	(pc) =	sbr.rel $0x88, $3  }
0x1: {  	(tag) =	ssettag $0x0;
	lr =	simm.s32 $0x1  }
0x2: {  	[smem:$0x3F9F] =	sst lr;
	_ =	strace $0xD0000000  }
0x3: {  	_ = 	snop  }
0x4: {  	_ = 	snop  }
0x5: {  	_ = 	snop  }
0x6: {  	_ = 	snop  }
0x7: {  	_ = 	snop  }
__scs_overlays_trampoline_lowered:
0x8: {  	[smem:$0x3FAE] =	sst s0  }
0x9: {  	[smem:$0x3FAF] =	sst s1  }
0xa: {  	[smem:$0x3FB0] =	sst s2  }
0xb: {  	[smem:$0x3FB1] =	sst s3  }
0xc: {  	[smem:$0x3FB2] =	sst s4  }
0xd: {  	[smem:$0x3FB3] =	sst s5  }
0xe: {  	[smem:$0x3FB4] =	sst s6  }
0xf: {  	[smem:$0x3FB5] =	sst s7  }
0x10: {  	[smem:$0x3FB6] =	sst s8  }
0x11: {  	[smem:$0x3FB7] =	sst s9;
	s0 =	simm.s32 @!p0 $0x0  }
0x12: {  	s1 =	sld [smem:$0x3F9D];
	s0 =	simm.s32 @p0 $0x1  }
0x13: {  	[smem:$0x3FB8] =	sst s0;
	s0 =	simm.s32 @!p1 $0x0  }
0x14: {  	s2 =	sld [smem:$0x3F9C];
	s0 =	simm.s32 @p1 $0x1  }
0x15: {  	[smem:$0x3FB9] =	sst s0;
	s0 =	simm.s32 @!p2 $0x0  }
0x16: {  	s3 =	sld [smem:$0x3FDB];
	s0 =	simm.s32 @p2 $0x1  }
0x17: {  	s4 =	simm.s32 $0x1BF5;
	[smem:$0x3FBB] =	sst s0  }
0x18: {  	s0 =	sld [smem:$0x3F9E];
	_ =	swait.ge [sflag:s4], $0x0  }
0x19: {  	s7 =	sld [smem:$0x3F9F]  }
0x1a: {  	s8 =	sadd.s32 $0xFFFFE003, lr  }
0x1b: {  	s9 =	sadd.s32 $0xFFFFFEF7, lr;
	s5 =	simm.s32 $0xFFFFFFFF;
	p2 =	slt.u32 s8, $0xFFFFF086  }
0x1c: {  	p1 =	slt.u32 s9, $0xF7A;
	s5 =	simm.s32 @!p2 $0x0  }
0x1d: {  	s5 =	simm.s32 @p1 $0x1;
	p0 =	seq.s32 s7, s2  }
0x1e: {  	s7 =	smul.u32 @!p0 $0xF7A, s2;
	p2 =	seq.s32 @!p0 s5, $0x0  }
0x1f: {  	s9 =	smul.u32 $0xF7A, s1;
	s8 =	simm.s32 @!p0 $0x1BF5;
	p2 =	por !p2, p0  }
0x20: {  	[sflag:s8] =	ssyncset.s32 @!p0 $0xFFFFF086;
	s6 =	sadd.s32 @!p0 s3, s7;
	s7 =	simm.s32 @!p0 $0x108  }
0x21: {  	s3 =	sadd.s32 s3, s9;
	s6 =	sadd.s32 @!p0 $0x88, s6;
	s7 =	simm.s32 @p2 $0x1082  }
0x22: {  	[simem:s7], [sflag:s8] =	dma.local @!p0 [hbm:s6], $0xF7A  }
0x23: {  	s9 =	sor.u32 $0xD0000000, s2;
	s6 =	simm.s32 $0x108;
	_ =	swait.ge @!p0 [sflag:s8], $0x0  }
0x24: {  	s3 =	sadd.s32 $0x88, s3;
	s6 =	simm.s32 @!p1 $0x1082;
	[sflag:s4] =	ssyncset.s32 $0xFFFFF086  }
0x25: {  	[simem:s6], [sflag:s4] =	dma.local [hbm:s3], $0xF7A  }
0x26: {  	[smem:$0x3F9F] =	sst s1;
	(tag) =	ssettag s2;
	_ =	strace s9  }
0x27: {  	s1 =	sld [smem:$0x3FAF]  }
0x28: {  	s2 =	sld [smem:$0x3FB0]  }
0x29: {  	s4 =	sld [smem:$0x3FB2]  }
0x2a: {  	p0 =	seq.s32 s5, $0x0;
	s5 =	sld [smem:$0x3FB3]  }
0x2b: {  	s6 =	sld [smem:$0x3FB4]  }
0x2c: {  	s7 =	sld [smem:$0x3FB5]  }
0x2d: {  	s3 =	simm.s32 $0x108;
	s8 =	sld [smem:$0x3FB6]  }
0x2e: {  	s3 =	simm.s32 @!p0 $0x1082;
	s9 =	sld [smem:$0x3FB7]  }
0x2f: {  	lr =	sadd.s32 s0, s3;
	s0 =	sld [smem:$0x3FAE]  }
0x30: {  	s3 =	sld [smem:$0x3FB1]  }
0x31: {  	[smem:$0x3FBA] =	sst s10  }
0x32: {  	s10 =	sld [smem:$0x3FB8];
	_ =	sdelay $0x3  }
0x33: {  	p0 =	seq.s32 s10, $0x1;
	s10 =	sld [smem:$0x3FBA];
	_ =	sdelay $0x3  }
0x34: {  	[smem:$0x3FBA] =	sst s10  }
0x35: {  	s10 =	sld [smem:$0x3FB9];
	_ =	sdelay $0x3  }
0x36: {  	p1 =	seq.s32 s10, $0x1;
	s10 =	sld [smem:$0x3FBA];
	_ =	sdelay $0x3  }
0x37: {  	[smem:$0x3FBA] =	sst s10  }
0x38: {  	s10 =	sld [smem:$0x3FBB]  }
0x39: {  	_ = 	snop;
	(pc) =	sbr.ind lr, $3  }
0x3a: {  	_ = 	snop  }
0x3b: {  	_ = 	snop  }
0x3c: {  	p2 =	seq.s32 s10, $0x1;
	s10 =	sld [smem:$0x3FBA]  }
0x3d: {  	_ =	shalt  }
0x3e: {  	_ =	shalt  }
0x3f: {  	_ =	shalt  }
0x40: {  	_ =	shalt  }
0x41: {  	_ =	shalt  }
0x42: {  	_ =	shalt  }
0x43: {  	_ =	shalt  }
0x44: {  	_ =	shalt  }
0x45: {  	_ =	shalt  }
0x46: {  	_ =	shalt  }
0x47: {  	_ =	shalt  }
0x48: {  	_ =	shalt  }
0x49: {  	_ =	shalt  }
0x4a: {  	_ =	shalt  }
0x4b: {  	_ =	shalt  }
0x4c: {  	_ =	shalt  }
0x4d: {  	_ =	shalt  }
0x4e: {  	_ =	shalt  }
0x4f: {  	_ =	shalt  }
0x50: {  	_ =	shalt  }
0x51: {  	_ =	shalt  }
0x52: {  	_ =	shalt  }
0x53: {  	_ =	shalt  }
0x54: {  	_ =	shalt  }
0x55: {  	_ =	shalt  }
0x56: {  	_ =	shalt  }
0x57: {  	_ =	shalt  }
0x58: {  	_ =	shalt  }
0x59: {  	_ =	shalt  }
0x5a: {  	_ =	shalt  }
0x5b: {  	_ =	shalt  }
0x5c: {  	_ =	shalt  }
0x5d: {  	_ =	shalt  }
0x5e: {  	_ =	shalt  }
0x5f: {  	_ =	shalt  }
0x60: {  	_ =	shalt  }
0x61: {  	_ =	shalt  }
0x62: {  	_ =	shalt  }
0x63: {  	_ =	shalt  }
0x64: {  	_ =	shalt  }
0x65: {  	_ =	shalt  }
0x66: {  	_ =	shalt  }
0x67: {  	_ =	shalt  }
0x68: {  	_ =	shalt  }
0x69: {  	_ =	shalt  }
0x6a: {  	_ =	shalt  }
0x6b: {  	_ =	shalt  }
0x6c: {  	_ =	shalt  }
0x6d: {  	_ =	shalt  }
0x6e: {  	_ =	shalt  }
0x6f: {  	_ =	shalt  }
0x70: {  	_ =	shalt  }
0x71: {  	_ =	shalt  }
0x72: {  	_ =	shalt  }
0x73: {  	_ =	shalt  }
0x74: {  	_ =	shalt  }
0x75: {  	_ =	shalt  }
0x76: {  	_ =	shalt  }
0x77: {  	_ =	shalt  }
0x78: {  	_ =	shalt  }
0x79: {  	_ =	shalt  }
0x7a: {  	_ =	shalt  }
0x7b: {  	_ =	shalt  }
0x7c: {  	_ =	shalt  }
0x7d: {  	_ =	shalt  }
0x7e: {  	_ =	shalt  }
0x7f: {  	_ =	shalt  }
0x80: {  	_ =	shalt  }
0x81: {  	_ =	shalt  }
0x82: {  	_ =	shalt  }
0x83: {  	_ =	shalt  }
0x84: {  	_ =	shalt  }
0x85: {  	_ =	shalt  }
0x86: {  	_ =	shalt  }
0x87: {  	_ =	shalt  }
.Lfunc_end0:
.L_simem_size_0:
called_computation_lowered:
.L_overlay_start_0:
0x88: {  	s2 =	sld [smem:$0x3FD9]  }
0x89: {  	s3 =	sld [smem:$0x3FFE];
	_ =	sdelay $0x1  }
0x8a: {  	s1 =	srdreg.scid  }
0x8b: {  	s0 =	sand.u32 $0x1, s1  }
0x8c: {  	s17 =	sshll.u32 s0, $0xA;
	s2 =	sadd.s32 s3, s2  }
0x8d: {  	s2 =	sadd.s32 s2, s17  }
0x8e: {  	[smem:$0x3FC6] =	sst s2  }
0x8f: {  	_ = 	snop  }
0x90: {  	s2 =	sld [smem:$0x3FC8];
	(tm) =	ssettm $0x1  }
0x91: {  	s18 =	sld [smem:$0x3FFB];
	_ =	sdelay $0x3  }
0x92: {  	_ =	strace s18  }
0x93: {  	s3 =	sld [smem:$0x3FFC];
	_ =	sdelay $0x3  }
0x94: {  	_ =	strace s3  }
0x95: {  	s3 =	sld [smem:$0x3FFD];
	_ =	sdelay $0x3  }
0x96: {  	_ =	strace s3  }
0x97: {  	_ =	strace $0x8FFFFFFF  }
0x98: {  	s19 =	sld [smem:$0x3FDB];
	_ =	sdelay $0x1  }
0x99: {  	s4 =	simm.s32 $_scs_section_size  }
0x9a: {  	s5 =	simm.s32 $_size__tile_overlayer_lowered;
	s6 =	simm.s32 $_tile_overlayer_lowered  }
0x9b: {  	s22 =	simm.s32 $0x1BFF;
	s21 =	sshll.u32 s6, $0x1;
	s3 =	sadd.s32 s4, s19  }
0x9c: {  	s7 =	simm.s32 $0x0;
	s20 =	sshll.u32 s5, $0x1;
	s5 =	sadd.s32 s21, s3  }
0x9d: {  	[timem:s7], [sflag:s22] =	dma.local [hbm:s5], s20  }
0x9e: {  	_ =	swait.ge [sflag:s22], s20  }
0x9f: {  	s4 =	ssub.s32 $0x0, s20;
	[sflag:s22] =	ssyncset.done $0x0  }
0xa0: {  	[sflag:s22] =	ssyncadd.s32 s4;
	_ =	sdelay $0x1  }
0xa1: {  	s23 =	simm.s32 $0x1B8B  }
0xa2: {  	_ =	swait.ge [sflag:s23], $0x1  }
0xa3: {  	[sflag:s23] =	ssyncset.done $0x0  }
0xa4: {  	s25 =	simm.s32 $0x1B8E;
	s24 =	sld [smem:$0x3FFE];
	[sflag:s23] =	ssyncadd.s32 $0xFFFFFFFF  }
0xa5: {  	s26 =	simm.s32 $execute0_lowered;
	[smem:$0x3FD2] =	sst s25  }
0xa6: {  	s5 =	sshll.u32 s26, $0x1;
	_ =	strace $0x80000046;
	[dreg:$0x1] =	wrdreg $0xFFFFFFFF  }
0xa7: {  	s28 =	simm.s32 $_size_execute0_lowered;
	s3 =	sadd.s32 s3, s5;
	[dreg:$0x0] =	wrdreg $0x0  }
0xa8: {  	s5 =	sshll.u32 s28, $0x1;
	[dreg:$0x2] =	wrdreg s3  }
0xa9: {  	[dreg:$0x3] =	wrdreg s5  }
0xaa: {  	[dreg:$0x4] =	wrdreg $0xC0  }
0xab: {  	_ =	task [dreg:s7], $0x5FFFF  }
0xac: {  	[dreg:$0x1] =	wrdreg $0xFFFFFFFF  }
0xad: {  	[dreg:$0x0] =	wrdreg $0x60  }
0xae: {  	[dreg:$0x2] =	wrdreg s2  }
0xaf: {  	[dreg:$0x3] =	wrdreg s24  }
0xb0: {  	[dreg:$0x4] =	wrdreg $0x9  }
0xb1: {  	_ =	task.clear_ibuf [dreg:s7], $0x5FFFF;
	_ =	strace $0x90000046  }
0xb2: {  	s29 =	simm.s32 $0x9;
	_ =	strace $0x80000048  }
0xb3: {  	_ =	swait.ge [sflag:s29], $0x1  }
0xb4: {  	[sflag:s29] =	ssyncadd.s32 $0xFFFFFFFF  }
0xb5: {  	_ =	strace $0x90000048  }
0xb6: {  	_ =	sfence  }
0xb7: {  	s30 =	sld [smem:$0x0];
	_ =	sdelay $0x2  }
0xb8: {  	s31 =	sshll.u32 s1, $0xD;
	s1 =	sshrl.u32 s1, $0x2  }
0xb9: {  	s3 =	sand.u32 $0x4000, s31;
	s1 =	sadd.s32 s1, s30  }
0xba: {  	s0 =	sor.u32 s3, s0;
	s1 =	sshll.u32 s1, $0x11  }
0xbb: {  	s0 =	sor.u32 s1, s0  }
0xbc: {  	s0 =	sadd.s32 $0x8F2B, s0  }
0xbd: {  	[sflag:s0] =	ssyncadd.remote.s32 $0x1  }
0xbe: {  	_ =	sfence.sel $0xFFFF  }
0xbf: {  	[dreg:$0x0] =	wrdreg $0xFFFFFFFF;
	(pc) =	sbr.abs _section_cstart, $3  }
0xc0: {  	[dreg:$0x1] =	wrdreg $0xFFFFFFFF  }
0xc1: {  	_ =	task.clear_ibuf [dreg:s7], $0x2FFFF;
	_ =	strace $0x9FFFFFFF  }
0xc2: {  	(tm) =	ssettm $0x7FFFFFFF  }
0xc3: {  	_ =	shalt  }
tec
execute0_lowered:
.L_overlay_start_1:
0x0: {  	(tag) =	ssettag $0x1  }
0x1: {  	s1 =	srdreg.scid  }
0x2: {  	s0 =	stileid.u32;
	s2 =	rddreg [dreg:$0x0]  }
0x3: {  	s5 =	rddreg [dreg:$0x1];
	s3 =	simm.s32 $0x0;
	s11 =	simm.s32 $0x400  }
0x4: {  	s12 =	simm.s32 $0x1;
	s13 =	simm.s32 $0x8000;
	s14 =	simm.s32 $0x2  }
0x5: {  	s15 =	simm.s32 $0x10000;
	s4 =	sand.u32 $0x1, s1;
	s29 =	sshll.u32 s0, $0x1  }
0x6: {  	s16 =	simm.s32 $0x3;
	s17 =	simm.s32 $0x11800;
	s6 =	sor.u32 s4, s29  }
0x7: {  	s18 =	simm.s32 $0x0;
	s8 =	ssub.s32 $0x2, s4;
	s7 =	smul.u32 $0x30, s6  }
0x8: {  	[smem:$0x7FF] =	sst s3;
	s6 =	smul.u32 $0x300, s6;
	s30 =	sshrl.u32 s8, $0x1  }
0x9: {  	s1 =	rddreg [dreg:$0x2];
	_ =	strace $0x80000047;
	s10 =	ssub.s32 s8, s30  }
0xa: {  	s4 =	sadd.s32 $0xA00, s7;
	s9 =	sadd.s32 s6, s5;
	s6 =	sadd.s32 $0x8000, s2  }
0xb: {  	s31 =	sshll.u32 s4, $0xD;
	s7 =	sadd.s32 $0x1000, s9;
	s8 =	sadd.s32 $0x7000, s9  }
0xc: {  	s9 =	smax.u32 s10, $0x1;
	s10 =	simm.s32 $0x80;
	s5 =	sadd.s32 s2, s31  }
.LBB2_1:
0xd: {  	[tilespmem:s3], [sflag:$0x1] =	stream.strided.gather [hbm4b:s5+s10], $0x8000, s11, s10, $0x38;
	[tilespmem:$0x13000] =	vst v63  }
0xe: {  	s19 =	simm.s32 $0x0  }
.LBB2_2:
0xf: {  	s20 =	sadd.s32 s4, s19  }
0x10: {  	s22 =	sshll.u32 s19, $0x4;
	s21 =	sshll.u32 s20, $0xD  }
0x11: {  	_ =	swait.ge [sflag:s12], $0x8000;
	s22 =	sand.u32 $0x70, s22;
	s21 =	sand.u32 $0xFFF0000, s21  }
0x12: {  	[sflag:s12] =	ssyncset.done $0x0;
	s21 =	sor.u32 s21, s22  }
0x13: {  	s31 =	simm.s32 $0x100;
	[sflag:s12] =	ssyncadd.s32 $0xFFFF8000;
	s21 =	sadd.s32 s21, s6  }
0x14: {  	[tilespmem:s13], [sflag:$0x2] =	stream.strided.gather [hbm4b:s21+s10], $0x8000, s11, s10, $0x38;
	[tilespmem:$0x13000] =	vst v63  }
0x15: {  	v8 =	vld [tilespmem:s31+$0x80]  }
0x16: {  	v9 =	vld [tilespmem:s31+$0x90]  }
0x17: {  	v2 =	vld [tilespmem:s31+$0xA0]  }
0x18: {  	v3 =	vld [tilespmem:s31+$0xB0]  }
0x19: {  	v4 =	vld [tilespmem:s31+$0xC0]  }
0x1a: {  	v1 =	vld [tilespmem:s31+$0xD0]  }
0x1b: {  	v0 =	vld [tilespmem:s31+$0xE0]  }
0x1c: {  	v11 =	vld [tilespmem:s31+$0x0]  }
0x1d: {  	v12 =	vld [tilespmem:s31+$0x10]  }
0x1e: {  	v17 =	vld [tilespmem:s31+$0x20]  }
0x1f: {  	v20 =	vld [tilespmem:s31+$0x30]  }
0x20: {  	v22 =	vld [tilespmem:s31+$0x40]  }
0x21: {  	v6 =	vld [tilespmem:s31+$0x50]  }
0x22: {  	v5 =	vld [tilespmem:s31+$0x60]  }
0x23: {  	v14 =	vld [tilespmem:s31+$0xFFFFFF80]  }
0x24: {  	v15 =	vld [tilespmem:s31+$0xFFFFFF90]  }
0x25: {  	v16 =	vld [tilespmem:s31+$0xFFFFFFA0]  }
0x26: {  	v21 =	vld [tilespmem:s31+$0xFFFFFFB0]  }
0x27: {  	v23 =	vld [tilespmem:s31+$0xFFFFFFC0]  }
0x28: {  	v13 =	vld [tilespmem:s31+$0xFFFFFF00]  }
0x29: {  	v18 =	vld [tilespmem:s31+$0xFFFFFF10]  }
0x2a: {  	v25 =	vld [tilespmem:s31+$0xFFFFFF40]  }
0x2b: {  	v10 =	vld [tilespmem:s31+$0xFFFFFFD0]  }
0x2c: {  	v19 =	vld [tilespmem:s31+$0xFFFFFF20]  }
0x2d: {  	v7 =	vimm.f32 $-1.000000020e+30;
	v24 =	vld [tilespmem:s31+$0xFFFFFF30]  }
0x2e: {  	v26 =	vmax.f32 v7, v13;
	v13 =	vld [tilespmem:s31+$0xFFFFFFE0]  }
0x2f: {  	v18 =	vmax.f32 v7, v18;
	v63 =	vmax.f32 v7, v25;
	v26 =	vmax.f32 v26, v14;
	v14 =	vld [tilespmem:s31+$0xFFFFFF50]  }
0x30: {  	v18 =	vmax.f32 v18, v15;
	v15 =	vld [tilespmem:s31+$0xFFFFFF60];
	v23 =	vmax.f32 v63, v23;
	v11 =	vmax.f32 v26, v11  }
0x31: {  	v12 =	vmax.f32 v18, v12;
	v18 =	vld [tilespmem:s31+$0xFFFFFF70];
	v8 =	vmax.f32 v11, v8;
	v11 =	vmax.f32 v7, v19  }
0x32: {  	v9 =	vmax.f32 v12, v9;
	v12 =	vmax.f32 v7, v24;
	v19 =	vld [tilespmem:s31+$0xFFFFFFF0];
	v11 =	vmax.f32 v11, v16  }
0x33: {  	v22 =	vmax.f32 v23, v22;
	v12 =	vmax.f32 v12, v21;
	v16 =	vld [tilespmem:s31+$0x70];
	v21 =	vmax.f32 v11, v17  }
0x34: {  	s22 =	simm.s32 $0x300;
	s21 =	simm.s32 $0x0;
	v20 =	vmax.f32 v12, v20;
	v17 =	vld [tilespmem:s31+$0xF0];
	v11 =	vimm.f32 $-1.000000020e+30;
	v12 =	vimm.f32 $-1.000000020e+30  }
.LBB2_3:
0x35: {  	v23 =	vld [tilespmem:s22+$0x80];
	v21 =	vmax.f32 v21, v2;
	v20 =	vmax.f32 v20, v3;
	v22 =	vmax.f32 v22, v4  }
0x36: {  	v3 =	vmax.f32 v7, v14;
	v4 =	vmax.f32 v11, v15;
	v24 =	vld [tilespmem:s22+$0x90];
	v7 =	vmax.f32 v12, v18  }
0x37: {  	v10 =	vmax.f32 v3, v10;
	v4 =	vmax.f32 v4, v13;
	v2 =	vld [tilespmem:s22+$0xA0];
	v7 =	vmax.f32 v7, v19  }
0x38: {  	v6 =	vmax.f32 v10, v6;
	v5 =	vmax.f32 v4, v5;
	v3 =	vld [tilespmem:s22+$0xB0];
	v10 =	vmax.f32 v7, v16  }
0x39: {  	v7 =	vmax.f32 v6, v1;
	v11 =	vmax.f32 v5, v0;
	v4 =	vld [tilespmem:s22+$0xC0];
	v12 =	vmax.f32 v10, v17  }
0x3a: {  	v1 =	vld [tilespmem:s22+$0xD0]  }
0x3b: {  	v0 =	vld [tilespmem:s22+$0xE0]  }
0x3c: {  	v16 =	vld [tilespmem:s22+$0x0]  }
0x3d: {  	v17 =	vld [tilespmem:s22+$0x10]  }
0x3e: {  	v25 =	vld [tilespmem:s22+$0x20]  }
0x3f: {  	v26 =	vld [tilespmem:s22+$0x30]  }
0x40: {  	v27 =	vld [tilespmem:s22+$0x40]  }
0x41: {  	v6 =	vld [tilespmem:s22+$0x50]  }
0x42: {  	v5 =	vld [tilespmem:s22+$0x60]  }
0x43: {  	v15 =	vld [tilespmem:s22+$0xFFFFFF80]  }
0x44: {  	v18 =	vld [tilespmem:s22+$0xFFFFFF90]  }
0x45: {  	v28 =	vld [tilespmem:s22+$0xFFFFFFA0]  }
0x46: {  	v29 =	vld [tilespmem:s22+$0xFFFFFFB0]  }
0x47: {  	v30 =	vld [tilespmem:s22+$0xFFFFFFC0]  }
0x48: {  	v13 =	vld [tilespmem:s22+$0xFFFFFF00]  }
0x49: {  	v14 =	vld [tilespmem:s22+$0xFFFFFF10]  }
0x4a: {  	v10 =	vld [tilespmem:s22+$0xFFFFFFD0]  }
0x4b: {  	v19 =	vld [tilespmem:s22+$0xFFFFFF20]  }
0x4c: {  	v31 =	vld [tilespmem:s22+$0xFFFFFF30]  }
0x4d: {  	v32 =	vld [tilespmem:s22+$0xFFFFFF40]  }
0x4e: {  	s21 =	sadd.s32 $0x200, s21;
	v8 =	vmax.f32 v8, v13;
	v9 =	vmax.f32 v9, v14;
	v13 =	vld [tilespmem:s22+$0xFFFFFFE0]  }
0x4f: {  	p0 =	slt.u32 s21, $0x7E00;
	v8 =	vmax.f32 v8, v15;
	v14 =	vld [tilespmem:s22+$0xFFFFFF50];
	v9 =	vmax.f32 v9, v18  }
.Ltmp0:
0x50: {  	v8 =	vmax.f32 v8, v16;
	v15 =	vld [tilespmem:s22+$0xFFFFFF60];
	v9 =	vmax.f32 v9, v17;
	(pc) =	sbr.rel @p0 .LBB2_3-.Ltmp0, $4  }
0x51: {  	v8 =	vmax.f32 v8, v23;
	v18 =	vld [tilespmem:s22+$0xFFFFFF70];
	v9 =	vmax.f32 v9, v24  }
0x52: {  	v16 =	vmax.f32 v21, v19;
	v17 =	vmax.f32 v20, v31;
	v20 =	vmax.f32 v22, v32;
	v19 =	vld [tilespmem:s22+$0xFFFFFFF0]  }
0x53: {  	v21 =	vmax.f32 v16, v28;
	v17 =	vmax.f32 v17, v29;
	v22 =	vmax.f32 v20, v30;
	v16 =	vld [tilespmem:s22+$0x70]  }
0x54: {  	v21 =	vmax.f32 v21, v25;
	v20 =	vmax.f32 v17, v26;
	v22 =	vmax.f32 v22, v27;
	v17 =	vld [tilespmem:s22+$0xF0];
	s22 =	sadd.s32 $0x200, s22  }
0x55: {  	s21 =	simm.s32 $0x100  }
0x56: {  	v23 =	vld [tilespmem:s21+$0x80]  }
0x57: {  	v24 =	vld [tilespmem:s21+$0x90]  }
0x58: {  	v25 =	vld [tilespmem:s21+$0xA0]  }
0x59: {  	v26 =	vld [tilespmem:s21+$0xB0]  }
0x5a: {  	v27 =	vld [tilespmem:s21+$0xC0]  }
0x5b: {  	v28 =	vld [tilespmem:s21+$0xD0]  }
0x5c: {  	v29 =	vld [tilespmem:s21+$0xE0]  }
0x5d: {  	v30 =	vld [tilespmem:s21+$0xF0]  }
0x5e: {  	v31 =	vld [tilespmem:s21+$0x0]  }
0x5f: {  	v32 =	vld [tilespmem:s21+$0x10]  }
0x60: {  	v2 =	vmax.f32 v21, v2;
	v21 =	vld [tilespmem:s21+$0x20]  }
0x61: {  	v7 =	vmax.f32 v7, v14;
	v14 =	vld [tilespmem:s21+$0x30]  }
0x62: {  	v8 =	vmax.f32 v8, v9;
	v9 =	vld [tilespmem:s21+$0x40]  }
0x63: {  	v11 =	vmax.f32 v11, v15;
	v2 =	vmax.f32 v8, v2;
	v8 =	vld [tilespmem:s21+$0x50]  }
0x64: {  	v7 =	vmax.f32 v7, v10;
	v10 =	vmax.f32 v11, v13;
	v13 =	vld [tilespmem:s21+$0xFFFFFFD0]  }
0x65: {  	v15 =	vld [tilespmem:s21+$0xFFFFFFE0]  }
0x66: {  	v3 =	vmax.f32 v20, v3;
	v4 =	vmax.f32 v22, v4;
	v12 =	vmax.f32 v12, v18;
	v20 =	vld [tilespmem:s21+$0xFFFFFF00]  }
0x67: {  	v22 =	vld [tilespmem:s21+$0xFFFFFF10];
	v11 =	vmax.f32 v12, v19;
	v6 =	vmax.f32 v7, v6;
	v2 =	vmax.f32 v2, v3  }
0x68: {  	v63 =	vld [tilespmem:s21+$0xFFFFFF60];
	v5 =	vmax.f32 v10, v5;
	v1 =	vmax.f32 v6, v1;
	v2 =	vmax.f32 v2, v4  }
0x69: {  	v3 =	vld [tilespmem:s21+$0x60];
	v6 =	vmax.f32 v11, v16;
	v7 =	vmul.f32 $1.000000000e+01, v23;
	v10 =	vmul.f32 $1.000000000e+01, v24  }
0x6a: {  	v19 =	vld [tilespmem:s21+$0xFFFFFFF0];
	v0 =	vmax.f32 v5, v0;
	v12 =	vmul.f32 $1.000000000e+01, v25;
	v16 =	vmul.f32 $1.000000000e+01, v26  }
0x6b: {  	v4 =	vld [tilespmem:s21+$0x70];
	v5 =	vmax.f32 v6, v17;
	v17 =	vmul.f32 $1.000000000e+01, v27;
	v18 =	vmul.f32 $1.000000000e+01, v28  }
0x6c: {  	v11 =	vld [tilespmem:s21+$0xFFFFFFC0];
	v24 =	vmul.f32 $1.000000000e+01, v29;
	v25 =	vmul.f32 $1.000000000e+01, v30  }
0x6d: {  	v1 =	vmax.f32 v2, v1;
	v2 =	vld [tilespmem:s21+$0xFFFFFF80];
	v26 =	vmul.f32 $1.000000000e+01, v31;
	v27 =	vmul.f32 $1.000000000e+01, v32  }
0x6e: {  	v6 =	vld [tilespmem:s21+$0xFFFFFFB0];
	v28 =	vmul.f32 $1.000000000e+01, v21;
	v14 =	vmul.f32 $1.000000000e+01, v14  }
0x6f: {  	v0 =	vmax.f32 v1, v0;
	v1 =	vld [tilespmem:s21+$0xFFFFFF90];
	v9 =	vmul.f32 $1.000000000e+01, v9;
	v8 =	vmul.f32 $1.000000000e+01, v8  }
0x70: {  	v0 =	vmax.f32 v0, v5;
	v5 =	vld [tilespmem:s21+$0xFFFFFFA0];
	v21 =	vmul.f32 $1.000000000e+01, v13;
	v15 =	vmul.f32 $1.000000000e+01, v15  }
0x71: {  	v23 =	vld [tilespmem:s21+$0xFFFFFF20];
	v34 =	vmul.f32 $1.000000000e+01, v20;
	v35 =	vmul.f32 $1.000000000e+01, v22  }
0x72: {  	v29 =	vld [tilespmem:s21+$0xFFFFFF30];
	v20 =	vmul.f32 $1.000000000e+01, v63;
	v0 =	vmul.f32 $1.000000000e+01, v0  }
0x73: {  	v30 =	vld [tilespmem:s21+$0xFFFFFF40];
	v3 =	vmul.f32 $1.000000000e+01, v3;
	v13 =	vmul.f32 $1.000000000e+01, v19  }
0x74: {  	v31 =	vld [tilespmem:s21+$0xFFFFFF50];
	v4 =	vmul.f32 $1.000000000e+01, v4;
	v33 =	vmul.f32 $1.000000000e+01, v11  }
0x75: {  	v2 =	vmul.f32 $1.000000000e+01, v2;
	v6 =	vmul.f32 $1.000000000e+01, v6;
	v0 =	vmax.f32 v0, $-1.000000020e+30  }
0x76: {  	v1 =	vmul.f32 $1.000000000e+01, v1;
	v7 =	vsub.f32 v7, v0;
	v10 =	vsub.f32 v10, v0  }
0x77: {  	v11 =	vld [tilespmem:s21+$0xFFFFFF70];
	v14 =	vsub.f32 v14, v0;
	v5 =	vmul.f32 $1.000000000e+01, v5;
	v36 =	vmul.f32 $1.000000000e+01, v23  }
0x78: {  	v9 =	vsub.f32 v9, v0;
	v29 =	vmul.f32 $1.000000000e+01, v29;
	v23 =	vmul.f32 $1.000000000e+01, v30  }
0x79: {  	v8 =	vsub.f32 v8, v0;
	v22 =	vmul.f32 $1.000000000e+01, v31;
	v7 =	vmul.f32 $1.442695020e+00, v7  }
0x7a: {  	v12 =	vsub.f32 v12, v0;
	v10 =	vmul.f32 $1.442695020e+00, v10;
	v14 =	vmul.f32 $1.442695020e+00, v14  }
0x7b: {  	v2 =	vsub.f32 v2, v0;
	v9 =	vmul.f32 $1.442695020e+00, v9;
	v8 =	vmul.f32 $1.442695020e+00, v8  }
0x7c: {  	v1 =	vsub.f32 v1, v0;
	v19 =	vmul.f32 $1.000000000e+01, v11;
	v11 =	vsub.f32 v16, v0  }
0x7d: {  	v16 =	vsub.f32 v17, v0;
	v17 =	vsub.f32 v18, v0;
	v18 =	vmul.f32 $1.442695020e+00, v12  }
0x7e: {  	v2 =	vmul.f32 $1.442695020e+00, v2;
	(erf) = vpow2.f32 v7  }
0x7f: {  	v12 =	vsub.f32 v24, v0;
	v1 =	vmul.f32 $1.442695020e+00, v1;
	v24 =	vmul.f32 $1.442695020e+00, v11  }
0x80: {  	v3 =	vsub.f32 v3, v0;
	v16 =	vmul.f32 $1.442695020e+00, v16;
	(erf) = vpow2.f32 v10  }
0x81: {  	v11 =	vsub.f32 v25, v0;
	v25 =	vsub.f32 v26, v0;
	(erf) = vpow2.f32 v18  }
0x82: {  	v7 =	vsub.f32 v27, v0;
	v17 =	vmul.f32 $1.442695020e+00, v17;
	(erf) = vpow2.f32 v24  }
0x83: {  	v10 =	vmul.f32 $1.442695020e+00, v25;
	v25 =	vsub.f32 v28, v0;
	(erf) = vpow2.f32 v16  }
0x84: {  	v4 =	vsub.f32 v4, v0;
	v7 =	vmul.f32 $1.442695020e+00, v7;
	(erf) = vpow2.f32 v17  }
0x85: {  	v31 =	vsub.f32 v6, v0;
	v18 =	vmul.f32 $1.442695020e+00, v25;
	(erf) = vpow2.f32 v10  }
0x86: {  	v30 =	vsub.f32 v33, v0;
	v12 =	vmul.f32 $1.442695020e+00, v12;
	(erf) = vpow2.f32 v7  }
0x87: {  	v6 =	vimm.f32 $0.0e+00;
	v11 =	vmul.f32 $1.442695020e+00, v11;
	(erf) = vpow2.f32 v18  }
0x88: {  	v25 =	vmul.f32 $1.442695020e+00, v3;
	v3 =	vsub.f32 v34, v0;
	(erf) = vpow2.f32 v14  }
0x89: {  	v24 =	vmul.f32 $1.442695020e+00, v4;
	v4 =	vsub.f32 v35, v0;
	v14 =	vpop (erf);
	(erf) = vpow2.f32 v9  }
0x8a: {  	v3 =	vmul.f32 $1.442695020e+00, v3;
	v7 =	vsub.f32 v36, v0;
	v16 =	vpop (erf);
	(erf) = vpow2.f32 v8  }
0x8b: {  	v17 =	vpop (erf);
	v8 =	vimm.f32 $0.0e+00;
	(erf) = vpow2.f32 v2;
	v2 =	vmul.f32 $1.442695020e+00, v4  }
0x8c: {  	v4 =	vsub.f32 v29, v0;
	v18 =	vpop (erf);
	(erf) = vpow2.f32 v1;
	v1 =	vmul.f32 $1.442695020e+00, v7  }
0x8d: {  	v7 =	vsub.f32 v5, v0;
	v5 =	vimm.f32 $0.0e+00;
	v9 =	vpop (erf);
	(erf) = vpow2.f32 v3  }
0x8e: {  	v28 =	vmul.f32 $1.442695020e+00, v4;
	v10 =	vpop (erf);
	v3 =	vimm.f32 $0.0e+00;
	v4 =	vimm.f32 $0.0e+00  }
0x8f: {  	(erf) = vpow2.f32 v2;
	v29 =	vmul.f32 $1.442695020e+00, v7;
	v26 =	vpop (erf);
	v7 =	vimm.f32 $0.0e+00  }
0x90: {  	s22 =	simm.s32 $0x300;
	s21 =	simm.s32 $0x0;
	v2 =	vimm.f32 $0.0e+00;
	(erf) = vpow2.f32 v1;
	v27 =	vpop (erf);
	v1 =	vimm.f32 $0.0e+00  }
.LBB2_5:
0x91: {  	v32 =	vld [tilespmem:s22+$0x80];
	v35 =	vmul.f32 $1.442695020e+00, v31;
	v21 =	vsub.f32 v21, v0;
	(erf) = vpow2.f32 v28;
	v28 =	vpop (erf)  }
0x92: {  	v23 =	vsub.f32 v23, v0;
	v33 =	vld [tilespmem:s22+$0x90];
	v36 =	vmul.f32 $1.442695020e+00, v30;
	(erf) = vpow2.f32 v29;
	v29 =	vpop (erf)  }
0x93: {  	v22 =	vsub.f32 v22, v0;
	v34 =	vld [tilespmem:s22+$0xA0];
	v21 =	vmul.f32 $1.442695020e+00, v21;
	(erf) = vpow2.f32 v35;
	v31 =	vpop (erf)  }
0x94: {  	v20 =	vsub.f32 v20, v0;
	v38 =	vmul.f32 $1.442695020e+00, v23;
	v35 =	vld [tilespmem:s22+$0xB0];
	(erf) = vpow2.f32 v36;
	v30 =	vpop (erf)  }
0x95: {  	v19 =	vsub.f32 v19, v0;
	v22 =	vmul.f32 $1.442695020e+00, v22;
	v36 =	vld [tilespmem:s22+$0xC0];
	v37 =	vpop (erf);
	(erf) = vpow2.f32 v21  }
0x96: {  	v15 =	vsub.f32 v15, v0;
	v20 =	vmul.f32 $1.442695020e+00, v20;
	v21 =	vld [tilespmem:s22+$0xD0];
	(erf) = vpow2.f32 v38;
	v23 =	vpop (erf)  }
0x97: {  	v13 =	vsub.f32 v13, v0;
	v19 =	vmul.f32 $1.442695020e+00, v19;
	v38 =	vld [tilespmem:s22+$0xE0];
	v39 =	vpop (erf);
	(erf) = vpow2.f32 v22  }
0x98: {  	v15 =	vmul.f32 $1.442695020e+00, v15;
	v22 =	vld [tilespmem:s22+$0xF0];
	v40 =	vpop (erf);
	(erf) = vpow2.f32 v20  }
0x99: {  	v13 =	vmul.f32 $1.442695020e+00, v13;
	v20 =	vld [tilespmem:s22+$0x0];
	v41 =	vpop (erf);
	(erf) = vpow2.f32 v19  }
0x9a: {  	v5 =	vadd.f32 v39, v5;
	v6 =	vadd.f32 v40, v6;
	v19 =	vld [tilespmem:s22+$0x10];
	v39 =	vpop (erf);
	(erf) = vpow2.f32 v15  }
0x9b: {  	v8 =	vadd.f32 v41, v8;
	v15 =	vld [tilespmem:s22+$0x20];
	v7 =	vadd.f32 v39, v7;
	v39 =	vpop (erf);
	(erf) = vpow2.f32 v13  }
0x9c: {  	v5 =	vadd.f32 v37, v5;
	v6 =	vadd.f32 v23, v6;
	v13 =	vld [tilespmem:s22+$0x30];
	v23 =	vpop (erf);
	(erf) = vpow2.f32 v25  }
0x9d: {  	v8 =	vadd.f32 v39, v8;
	v25 =	vld [tilespmem:s22+$0x40];
	v7 =	vadd.f32 v23, v7;
	v23 =	vpop (erf);
	(erf) = vpow2.f32 v24  }
0x9e: {  	v5 =	vadd.f32 v26, v5;
	v6 =	vadd.f32 v27, v6;
	v24 =	vld [tilespmem:s22+$0x50];
	v26 =	vpop (erf);
	(erf) = vpow2.f32 v12  }
0x9f: {  	v8 =	vadd.f32 v28, v8;
	v12 =	vld [tilespmem:s22+$0x60];
	v7 =	vadd.f32 v29, v7;
	v27 =	vpop (erf);
	(erf) = vpow2.f32 v11  }
0xa0: {  	v28 =	vmul.f32 $1.000000000e+01, v32;
	v5 =	vadd.f32 v14, v5;
	v6 =	vadd.f32 v16, v6;
	v11 =	vld [tilespmem:s22+$0x70];
	v14 =	vpop (erf)  }
0xa1: {  	v29 =	vmul.f32 $1.000000000e+01, v33;
	v8 =	vadd.f32 v17, v8;
	v16 =	vld [tilespmem:s22+$0xFFFFFF80];
	v7 =	vadd.f32 v18, v7;
	v17 =	vpop (erf)  }
0xa2: {  	v32 =	vmul.f32 $1.000000000e+01, v34;
	v2 =	vadd.f32 v27, v2;
	v3 =	vadd.f32 v14, v3;
	v18 =	vld [tilespmem:s22+$0xFFFFFF90];
	v14 =	vpop (erf)  }
0xa3: {  	v33 =	vmul.f32 $1.000000000e+01, v35;
	v4 =	vadd.f32 v17, v4;
	v27 =	vld [tilespmem:s22+$0xFFFFFFA0];
	v1 =	vadd.f32 v14, v1;
	v14 =	vpop (erf)  }
0xa4: {  	v34 =	vmul.f32 $1.000000000e+01, v36;
	v2 =	vadd.f32 v23, v2;
	v3 =	vadd.f32 v26, v3;
	v17 =	vld [tilespmem:s22+$0xFFFFFFB0];
	v23 =	vpop (erf)  }
0xa5: {  	v35 =	vmul.f32 $1.000000000e+01, v21;
	v4 =	vadd.f32 v14, v4;
	v26 =	vld [tilespmem:s22+$0xFFFFFFC0];
	v1 =	vadd.f32 v23, v1;
	v14 =	vpop (erf)  }
0xa6: {  	v36 =	vmul.f32 $1.000000000e+01, v38;
	v2 =	vadd.f32 v31, v2;
	v3 =	vadd.f32 v30, v3;
	v21 =	vld [tilespmem:s22+$0xFFFFFFD0];
	v23 =	vpop (erf)  }
0xa7: {  	v31 =	vmul.f32 $1.000000000e+01, v22;
	v4 =	vadd.f32 v14, v4;
	v30 =	vld [tilespmem:s22+$0xFFFFFFE0];
	v1 =	vadd.f32 v23, v1;
	v14 =	vpop (erf)  }
0xa8: {  	v37 =	vmul.f32 $1.000000000e+01, v20;
	v2 =	vadd.f32 v9, v2;
	v3 =	vadd.f32 v10, v3;
	v22 =	vld [tilespmem:s22+$0xFFFFFFF0];
	v9 =	vpop (erf)  }
0xa9: {  	v38 =	vmul.f32 $1.000000000e+01, v19;
	v4 =	vadd.f32 v14, v4;
	v10 =	vld [tilespmem:s22+$0xFFFFFF00];
	v1 =	vadd.f32 v9, v1  }
0xaa: {  	v39 =	vmul.f32 $1.000000000e+01, v13;
	v14 =	vmul.f32 $1.000000000e+01, v15;
	v9 =	vld [tilespmem:s22+$0xFFFFFF10]  }
0xab: {  	v25 =	vmul.f32 $1.000000000e+01, v25;
	v24 =	vmul.f32 $1.000000000e+01, v24;
	v19 =	vld [tilespmem:s22+$0xFFFFFF20]  }
0xac: {  	v40 =	vmul.f32 $1.000000000e+01, v12;
	v41 =	vmul.f32 $1.000000000e+01, v11;
	v20 =	vld [tilespmem:s22+$0xFFFFFF30]  }
0xad: {  	v16 =	vmul.f32 $1.000000000e+01, v16;
	v18 =	vmul.f32 $1.000000000e+01, v18;
	v11 =	vld [tilespmem:s22+$0xFFFFFF40]  }
0xae: {  	v27 =	vmul.f32 $1.000000000e+01, v27;
	v42 =	vmul.f32 $1.000000000e+01, v17;
	v12 =	vld [tilespmem:s22+$0xFFFFFF50]  }
0xaf: {  	v43 =	vmul.f32 $1.000000000e+01, v26;
	v21 =	vmul.f32 $1.000000000e+01, v21;
	v17 =	vld [tilespmem:s22+$0xFFFFFF60]  }
0xb0: {  	v15 =	vmul.f32 $1.000000000e+01, v30;
	v13 =	vmul.f32 $1.000000000e+01, v22;
	v26 =	vld [tilespmem:s22+$0xFFFFFF70]  }
0xb1: {  	v10 =	vmul.f32 $1.000000000e+01, v10;
	v9 =	vmul.f32 $1.000000000e+01, v9  }
0xb2: {  	v30 =	vmul.f32 $1.000000000e+01, v19;
	v44 =	vmul.f32 $1.000000000e+01, v20  }
0xb3: {  	v23 =	vmul.f32 $1.000000000e+01, v11;
	v11 =	vsub.f32 v28, v0;
	v22 =	vmul.f32 $1.000000000e+01, v12  }
0xb4: {  	v12 =	vsub.f32 v29, v0;
	v20 =	vmul.f32 $1.000000000e+01, v17;
	v17 =	vsub.f32 v32, v0  }
0xb5: {  	v28 =	vsub.f32 v34, v0;
	v19 =	vmul.f32 $1.000000000e+01, v26;
	v26 =	vsub.f32 v33, v0  }
0xb6: {  	v11 =	vmul.f32 $1.442695020e+00, v11;
	v29 =	vmul.f32 $1.442695020e+00, v12;
	v12 =	vsub.f32 v35, v0  }
0xb7: {  	v32 =	vsub.f32 v36, v0;
	v17 =	vmul.f32 $1.442695020e+00, v17;
	v26 =	vmul.f32 $1.442695020e+00, v26  }
0xb8: {  	v31 =	vsub.f32 v31, v0;
	v28 =	vmul.f32 $1.442695020e+00, v28;
	v33 =	vmul.f32 $1.442695020e+00, v12  }
0xb9: {  	v34 =	vsub.f32 v37, v0;
	v12 =	vmul.f32 $1.442695020e+00, v32;
	(erf) = vpow2.f32 v11  }
0xba: {  	v32 =	vsub.f32 v38, v0;
	v11 =	vmul.f32 $1.442695020e+00, v31;
	(erf) = vpow2.f32 v29  }
0xbb: {  	v14 =	vsub.f32 v14, v0;
	v29 =	vmul.f32 $1.442695020e+00, v34;
	(erf) = vpow2.f32 v17  }
0xbc: {  	v31 =	vsub.f32 v39, v0;
	v17 =	vmul.f32 $1.442695020e+00, v32;
	(erf) = vpow2.f32 v26  }
0xbd: {  	v25 =	vsub.f32 v25, v0;
	v14 =	vmul.f32 $1.442695020e+00, v14;
	(erf) = vpow2.f32 v28  }
0xbe: {  	v24 =	vsub.f32 v24, v0;
	v26 =	vmul.f32 $1.442695020e+00, v31;
	(erf) = vpow2.f32 v33  }
0xbf: {  	v28 =	vmul.f32 $1.442695020e+00, v25;
	v25 =	vsub.f32 v40, v0;
	(erf) = vpow2.f32 v29  }
0xc0: {  	v29 =	vmul.f32 $1.442695020e+00, v24;
	v24 =	vsub.f32 v41, v0;
	(erf) = vpow2.f32 v17  }
0xc1: {  	v31 =	vsub.f32 v16, v0;
	v25 =	vmul.f32 $1.442695020e+00, v25;
	(erf) = vpow2.f32 v14  }
0xc2: {  	v32 =	vsub.f32 v18, v0;
	v24 =	vmul.f32 $1.442695020e+00, v24;
	(erf) = vpow2.f32 v26;
	v14 =	vpop (erf)  }
0xc3: {  	s21 =	sadd.s32 $0x200, s21;
	v10 =	vsub.f32 v10, v0;
	v31 =	vmul.f32 $1.442695020e+00, v31;
	(erf) = vpow2.f32 v28;
	v16 =	vpop (erf)  }
0xc4: {  	p0 =	slt.u32 s21, $0x7E00;
	v33 =	vsub.f32 v9, v0;
	v26 =	vmul.f32 $1.442695020e+00, v32;
	(erf) = vpow2.f32 v29;
	v17 =	vpop (erf)  }
.Ltmp1:
0xc5: {  	v34 =	vmul.f32 $1.442695020e+00, v10;
	v28 =	vsub.f32 v30, v0;
	(erf) = vpow2.f32 v31;
	v18 =	vpop (erf);
	(pc) =	sbr.rel @p0 .LBB2_5-.Ltmp1, $4  }
0xc6: {  	v30 =	vsub.f32 v44, v0;
	v29 =	vmul.f32 $1.442695020e+00, v33;
	(erf) = vpow2.f32 v26;
	v9 =	vpop (erf)  }
0xc7: {  	v33 =	vsub.f32 v27, v0;
	v32 =	vmul.f32 $1.442695020e+00, v28;
	(erf) = vpow2.f32 v34;
	v10 =	vpop (erf)  }
0xc8: {  	v28 =	vmul.f32 $1.442695020e+00, v30;
	v31 =	vsub.f32 v42, v0;
	(erf) = vpow2.f32 v29;
	v26 =	vpop (erf)  }
0xc9: {  	s22 =	sadd.s32 $0x200, s22;
	v30 =	vsub.f32 v43, v0;
	v29 =	vmul.f32 $1.442695020e+00, v33;
	(erf) = vpow2.f32 v32;
	v27 =	vpop (erf)  }
0xca: {  	v31 =	vmul.f32 $1.442695020e+00, v31;
	v21 =	vsub.f32 v21, v0  }
0xcb: {  	(erf) = vpow2.f32 v28;
	v59 =	vpop (erf);
	v23 =	vsub.f32 v23, v0;
	v30 =	vmul.f32 $1.442695020e+00, v30  }
0xcc: {  	v22 =	vsub.f32 v22, v0;
	(erf) = vpow2.f32 v29;
	v60 =	vpop (erf);
	v21 =	vmul.f32 $1.442695020e+00, v21  }
0xcd: {  	v20 =	vsub.f32 v20, v0;
	(erf) = vpow2.f32 v31;
	v61 =	vpop (erf);
	v23 =	vmul.f32 $1.442695020e+00, v23  }
0xce: {  	v19 =	vsub.f32 v19, v0;
	v22 =	vmul.f32 $1.442695020e+00, v22;
	(erf) = vpow2.f32 v30;
	v62 =	vpop (erf)  }
0xcf: {  	v15 =	vsub.f32 v15, v0;
	v20 =	vmul.f32 $1.442695020e+00, v20;
	v32 =	vpop (erf);
	(erf) = vpow2.f32 v21  }
0xd0: {  	v13 =	vsub.f32 v13, v0;
	v19 =	vmul.f32 $1.442695020e+00, v19;
	(erf) = vpow2.f32 v23;
	v21 =	vpop (erf)  }
0xd1: {  	v15 =	vmul.f32 $1.442695020e+00, v15;
	(erf) = vpow2.f32 v22;
	v23 =	vpop (erf)  }
0xd2: {  	v13 =	vmul.f32 $1.442695020e+00, v13;
	(erf) = vpow2.f32 v20;
	v22 =	vpop (erf)  }
0xd3: {  	(erf) = vpow2.f32 v19;
	v20 =	vpop (erf)  }
0xd4: {  	(erf) = vpow2.f32 v15;
	v19 =	vpop (erf)  }
0xd5: {  	v15 =	vpop (erf);
	(erf) = vpow2.f32 v13  }
0xd6: {  	v13 =	vpop (erf);
	(erf) = vpow2.f32 v25;
	v25 =	vsub.f32 $-1.000000020e+30, v0  }
0xd7: {  	v33 =	vpop (erf);
	(erf) = vpow2.f32 v24  }
0xd8: {  	v24 =	vpop (erf);
	(erf) = vpow2.f32 v12;
	v12 =	vmul.f32 $1.442695020e+00, v25;
	_ =	sdelay $0x1  }
0xd9: {  	v25 =	vpop (erf);
	(erf) = vpow2.f32 v11  }
0xda: {  	v34 =	vpop (erf);
	(erf) = vpow2.f32 v12  }
0xdb: {  	v12 =	vpop (erf)  }
0xdc: {  	v35 =	vpop (erf)  }
0xdd: {  	v36 =	vpop (erf)  }
0xde: {  	v37 =	vpop (erf)  }
0xdf: {  	v38 =	vpop (erf)  }
0xe0: {  	p0 =	seq.s32 s19, $0x2F;
	v39 =	vpop (erf)  }
0xe1: {  	s20 =	sadd.s32 @!p0 $0x1, s20;
	v40 =	vpop (erf)  }
0xe2: {  	s21 =	sshll.u32 @!p0 s20, $0x10;
	s20 =	sshll.u32 @!p0 s20, $0x7;
	v41 =	vpop (erf)  }
0xe3: {  	s31 =	simm.s32 $0x8100;
	s21 =	sand.u32 @!p0 $0xFFF80000, s21;
	s20 =	sand.u32 @!p0 $0x380, s20;
	v42 =	vpop (erf)  }
0xe4: {  	s22 =	simm.s32 @!p0 $0x400;
	s20 =	sor.u32 @!p0 s20, s21;
	_ =	swait.ge [sflag:s14], $0x8000  }
0xe5: {  	s23 =	simm.s32 @!p0 $0x0;
	s20 =	sshrl.u32 @!p0 s20, $0x3;
	[sflag:s14] =	ssyncset.done $0x0  }
0xe6: {  	s21 =	simm.s32 @!p0 $0x80;
	s20 =	sadd.s32 @!p0 s2, s20;
	[sflag:s14] =	ssyncadd.s32 $0xFFFF8000  }
0xe7: {  	[tilespmem:s23], [sflag:$0x1] =	stream.strided.gather @!p0 [hbm4b:s20+s21], $0x8000, s22, s21, $0x38;
	[tilespmem:$0x13000] =	vst v63  }
0xe8: {  	v43 =	vld [tilespmem:s31+$0x80]  }
0xe9: {  	v44 =	vld [tilespmem:s31+$0x90]  }
0xea: {  	v5 =	vadd.f32 v23, v5;
	v6 =	vadd.f32 v22, v6;
	v11 =	vld [tilespmem:s31+$0xA0]  }
0xeb: {  	v20 =	vadd.f32 v20, v8;
	v19 =	vadd.f32 v19, v7;
	v8 =	vld [tilespmem:s31+$0xB0]  }
0xec: {  	v22 =	vadd.f32 v32, v5;
	v21 =	vadd.f32 v21, v6;
	v7 =	vld [tilespmem:s31+$0xC0]  }
0xed: {  	v15 =	vadd.f32 v15, v20;
	v13 =	vadd.f32 v13, v19;
	v5 =	vld [tilespmem:s31+$0xD0]  }
0xee: {  	v19 =	vadd.f32 v26, v22;
	v20 =	vadd.f32 v27, v21;
	v6 =	vld [tilespmem:s31+$0xE0]  }
0xef: {  	v15 =	vadd.f32 v59, v15;
	v13 =	vadd.f32 v60, v13;
	v21 =	vld [tilespmem:s31+$0x0]  }
0xf0: {  	v14 =	vadd.f32 v14, v19;
	v16 =	vadd.f32 v16, v20;
	v19 =	vld [tilespmem:s31+$0x10]  }
0xf1: {  	v15 =	vadd.f32 v17, v15;
	v2 =	vadd.f32 v25, v2;
	v20 =	vld [tilespmem:s31+$0x20]  }
0xf2: {  	v14 =	vadd.f32 v16, v14;
	v3 =	vadd.f32 v34, v3;
	v22 =	vld [tilespmem:s31+$0x30]  }
0xf3: {  	v4 =	vadd.f32 v12, v4;
	v12 =	vadd.f32 v33, v2;
	v25 =	vld [tilespmem:s31+$0x40]  }
0xf4: {  	v13 =	vadd.f32 v18, v13;
	v16 =	vadd.f32 v24, v3;
	v2 =	vld [tilespmem:s31+$0x50]  }
0xf5: {  	v14 =	vadd.f32 v15, v14;
	v12 =	vadd.f32 v61, v12;
	v3 =	vld [tilespmem:s31+$0x60]  }
0xf6: {  	v15 =	vadd.f32 v62, v16;
	v17 =	vld [tilespmem:s31+$0xFFFFFF80]  }
0xf7: {  	v9 =	vadd.f32 v9, v12;
	v12 =	vadd.f32 v13, v14;
	v18 =	vld [tilespmem:s31+$0xFFFFFF90]  }
0xf8: {  	v1 =	vadd.f32 v35, v1;
	v4 =	vadd.f32 v36, v4;
	v13 =	vld [tilespmem:s31+$0xFFFFFFA0]  }
0xf9: {  	v10 =	vadd.f32 v10, v15;
	v9 =	vadd.f32 v9, v12;
	v14 =	vld [tilespmem:s31+$0xFFFFFFB0]  }
0xfa: {  	v1 =	vadd.f32 v37, v1;
	v4 =	vadd.f32 v38, v4;
	v15 =	vld [tilespmem:s31+$0xFFFFFF00]  }
0xfb: {  	v9 =	vadd.f32 v10, v9;
	v10 =	vld [tilespmem:s31+$0xFFFFFF10]  }
0xfc: {  	v1 =	vadd.f32 v39, v1;
	v4 =	vadd.f32 v40, v4;
	v24 =	vld [tilespmem:s31+$0xFFFFFF20]  }
0xfd: {  	v26 =	vld [tilespmem:s31+$0xFFFFFF30]  }
0xfe: {  	v1 =	vadd.f32 v41, v1;
	v9 =	vadd.f32 v4, v9;
	v27 =	vld [tilespmem:s31+$0xFFFFFF40]  }
0xff: {  	v23 =	vld [tilespmem:s31+$0xFFFFFFC0]  }
0x100: {  	v63 =	vmul.f32 $0.0e+00, v42;
	v4 =	vimm.f32 $-1.000000020e+30;
	v12 =	vld [tilespmem:s31+$0xFFFFFFD0];
	v1 =	vadd.f32 v1, v9  }
0x101: {  	v16 =	vld [tilespmem:s31+$0xFFFFFF50];
	v9 =	vmax.f32 v4, v15;
	v10 =	vmax.f32 v4, v10  }
0x102: {  	v1 =	vadd.f32 v1, v63;
	v15 =	vld [tilespmem:s31+$0xFFFFFFE0];
	v9 =	vmax.f32 v9, v17;
	v10 =	vmax.f32 v10, v18  }
0x103: {  	v17 =	vld [tilespmem:s31+$0xFFFFFF60];
	v18 =	vmax.f32 v4, v24;
	v24 =	vmax.f32 v4, v26;
	v26 =	vmax.f32 v4, v27  }
0x104: {  	v9 =	vmax.f32 v9, v21;
	v10 =	vmax.f32 v10, v19;
	v19 =	vld [tilespmem:s31+$0xFFFFFF70];
	v13 =	vmax.f32 v18, v13  }
0x105: {  	v21 =	vld [tilespmem:s31+$0xFFFFFFF0];
	v14 =	vmax.f32 v24, v14;
	v24 =	vmax.f32 v26, v23;
	v9 =	vmax.f32 v9, v43  }
0x106: {  	v18 =	vld [tilespmem:s31+$0x70];
	v10 =	vmax.f32 v10, v44;
	v23 =	vmax.f32 v13, v20;
	v22 =	vmax.f32 v14, v22  }
0x107: {  	s20 =	sadd.s32 $0x1, s19;
	s21 =	simm.s32 $0x0;
	s22 =	simm.s32 $0x8300;
	v24 =	vmax.f32 v24, v25;
	v20 =	vld [tilespmem:s31+$0xF0];
	v13 =	vimm.f32 $-1.000000020e+30;
	v14 =	vimm.f32 $-1.000000020e+30  }
.LBB2_7:
0x108: {  	v25 =	vld [tilespmem:s22+$0x80];
	v23 =	vmax.f32 v23, v11;
	v22 =	vmax.f32 v22, v8;
	v24 =	vmax.f32 v24, v7  }
0x109: {  	v4 =	vmax.f32 v4, v16;
	v7 =	vmax.f32 v13, v17;
	v26 =	vld [tilespmem:s22+$0x90];
	v8 =	vmax.f32 v14, v19  }
0x10a: {  	v4 =	vmax.f32 v4, v12;
	v7 =	vmax.f32 v7, v15;
	v11 =	vld [tilespmem:s22+$0xA0];
	v12 =	vmax.f32 v8, v21  }
0x10b: {  	v2 =	vmax.f32 v4, v2;
	v3 =	vmax.f32 v7, v3;
	v8 =	vld [tilespmem:s22+$0xB0];
	v12 =	vmax.f32 v12, v18  }
0x10c: {  	v4 =	vmax.f32 v2, v5;
	v13 =	vmax.f32 v3, v6;
	v7 =	vld [tilespmem:s22+$0xC0];
	v14 =	vmax.f32 v12, v20  }
0x10d: {  	v5 =	vld [tilespmem:s22+$0xD0]  }
0x10e: {  	v6 =	vld [tilespmem:s22+$0xE0]  }
0x10f: {  	v18 =	vld [tilespmem:s22+$0x0]  }
0x110: {  	v19 =	vld [tilespmem:s22+$0x10]  }
0x111: {  	v20 =	vld [tilespmem:s22+$0x20]  }
0x112: {  	v27 =	vld [tilespmem:s22+$0x30]  }
0x113: {  	v28 =	vld [tilespmem:s22+$0x40]  }
0x114: {  	v2 =	vld [tilespmem:s22+$0x50]  }
0x115: {  	v3 =	vld [tilespmem:s22+$0x60]  }
0x116: {  	v17 =	vld [tilespmem:s22+$0xFFFFFF80]  }
0x117: {  	v21 =	vld [tilespmem:s22+$0xFFFFFF90]  }
0x118: {  	v29 =	vld [tilespmem:s22+$0xFFFFFFA0]  }
0x119: {  	v30 =	vld [tilespmem:s22+$0xFFFFFFB0]  }
0x11a: {  	v31 =	vld [tilespmem:s22+$0xFFFFFFC0]  }
0x11b: {  	v15 =	vld [tilespmem:s22+$0xFFFFFF00]  }
0x11c: {  	v16 =	vld [tilespmem:s22+$0xFFFFFF10]  }
0x11d: {  	v12 =	vld [tilespmem:s22+$0xFFFFFFD0]  }
0x11e: {  	v32 =	vld [tilespmem:s22+$0xFFFFFF20]  }
0x11f: {  	v33 =	vld [tilespmem:s22+$0xFFFFFF30]  }
0x120: {  	v34 =	vld [tilespmem:s22+$0xFFFFFF40]  }
0x121: {  	s21 =	sadd.s32 $0x200, s21;
	v9 =	vmax.f32 v9, v15;
	v10 =	vmax.f32 v10, v16;
	v15 =	vld [tilespmem:s22+$0xFFFFFFE0]  }
0x122: {  	p0 =	slt.u32 s21, $0x7E00;
	v9 =	vmax.f32 v9, v17;
	v16 =	vld [tilespmem:s22+$0xFFFFFF50];
	v10 =	vmax.f32 v10, v21  }
.Ltmp2:
0x123: {  	v9 =	vmax.f32 v9, v18;
	v17 =	vld [tilespmem:s22+$0xFFFFFF60];
	v10 =	vmax.f32 v10, v19;
	(pc) =	sbr.rel @p0 .LBB2_7-.Ltmp2, $4  }
0x124: {  	v9 =	vmax.f32 v9, v25;
	v19 =	vld [tilespmem:s22+$0xFFFFFF70];
	v10 =	vmax.f32 v10, v26  }
0x125: {  	v18 =	vmax.f32 v23, v32;
	v22 =	vmax.f32 v22, v33;
	v23 =	vmax.f32 v24, v34;
	v21 =	vld [tilespmem:s22+$0xFFFFFFF0]  }
0x126: {  	v24 =	vmax.f32 v18, v29;
	v22 =	vmax.f32 v22, v30;
	v25 =	vmax.f32 v23, v31;
	v18 =	vld [tilespmem:s22+$0x70]  }
0x127: {  	v23 =	vmax.f32 v24, v20;
	v22 =	vmax.f32 v22, v27;
	v24 =	vmax.f32 v25, v28;
	v20 =	vld [tilespmem:s22+$0xF0];
	s22 =	sadd.s32 $0x200, s22  }
0x128: {  	s21 =	simm.s32 $0x8100  }
0x129: {  	v25 =	vld [tilespmem:s21+$0x80]  }
0x12a: {  	v26 =	vld [tilespmem:s21+$0x90]  }
0x12b: {  	v27 =	vld [tilespmem:s21+$0xA0]  }
0x12c: {  	v28 =	vld [tilespmem:s21+$0xB0]  }
0x12d: {  	v29 =	vld [tilespmem:s21+$0xC0]  }
0x12e: {  	v30 =	vld [tilespmem:s21+$0xD0]  }
0x12f: {  	v31 =	vld [tilespmem:s21+$0xE0]  }
0x130: {  	v32 =	vld [tilespmem:s21+$0xF0]  }
0x131: {  	v33 =	vld [tilespmem:s21+$0x0]  }
0x132: {  	v34 =	vld [tilespmem:s21+$0x10]  }
0x133: {  	v11 =	vmax.f32 v23, v11;
	v23 =	vld [tilespmem:s21+$0x20]  }
0x134: {  	v4 =	vmax.f32 v4, v16;
	v16 =	vld [tilespmem:s21+$0x30]  }
0x135: {  	v9 =	vmax.f32 v9, v10;
	v10 =	vld [tilespmem:s21+$0x40]  }
0x136: {  	v9 =	vmax.f32 v9, v11;
	v11 =	vld [tilespmem:s21+$0x50]  }
0x137: {  	v13 =	vmax.f32 v13, v17;
	v17 =	vld [tilespmem:s21+$0xFFFFFFE0]  }
0x138: {  	v14 =	vmax.f32 v14, v19;
	v19 =	vld [tilespmem:s21+$0xFFFFFFF0]  }
0x139: {  	v8 =	vmax.f32 v22, v8;
	v7 =	vmax.f32 v24, v7;
	v61 =	vld [tilespmem:s21+$0xFFFFFF40]  }
0x13a: {  	v4 =	vmax.f32 v4, v12;
	v12 =	vmax.f32 v13, v15;
	v36 =	vld [tilespmem:s21+$0xFFFFFF70];
	v13 =	vmax.f32 v14, v21  }
0x13b: {  	v2 =	vmax.f32 v4, v2;
	v4 =	vmax.f32 v9, v8;
	v8 =	vld [tilespmem:s21+$0x60];
	v3 =	vmax.f32 v12, v3  }
0x13c: {  	v14 =	vld [tilespmem:s21+$0xFFFFFFD0];
	v2 =	vmax.f32 v2, v5;
	v4 =	vmax.f32 v4, v7;
	v9 =	vmul.f32 $1.000000000e+01, v25  }
0x13d: {  	v5 =	vld [tilespmem:s21+$0x70];
	v7 =	vmax.f32 v13, v18;
	v12 =	vmul.f32 $1.000000000e+01, v26;
	v15 =	vmul.f32 $1.000000000e+01, v27  }
0x13e: {  	v3 =	vmax.f32 v3, v6;
	v13 =	vld [tilespmem:s21+$0xFFFFFFC0];
	v18 =	vmul.f32 $1.000000000e+01, v28;
	v21 =	vmul.f32 $1.000000000e+01, v29  }
0x13f: {  	v2 =	vmax.f32 v4, v2;
	v4 =	vld [tilespmem:s21+$0xFFFFFF80];
	v22 =	vmul.f32 $1.000000000e+01, v30;
	v24 =	vmul.f32 $1.000000000e+01, v31  }
0x140: {  	v6 =	vmax.f32 v7, v20;
	v7 =	vld [tilespmem:s21+$0xFFFFFFB0];
	v25 =	vmul.f32 $1.000000000e+01, v32;
	v27 =	vmul.f32 $1.000000000e+01, v33  }
0x141: {  	v2 =	vmax.f32 v2, v3;
	v3 =	vld [tilespmem:s21+$0xFFFFFF90];
	v28 =	vmul.f32 $1.000000000e+01, v34;
	v30 =	vmul.f32 $1.000000000e+01, v23  }
0x142: {  	v2 =	vmax.f32 v2, v6;
	v6 =	vld [tilespmem:s21+$0xFFFFFFA0];
	v16 =	vmul.f32 $1.000000000e+01, v16;
	v10 =	vmul.f32 $1.000000000e+01, v10  }
0x143: {  	v26 =	vld [tilespmem:s21+$0xFFFFFF00];
	v31 =	vmul.f32 $1.000000000e+01, v11;
	v2 =	vmul.f32 $1.000000000e+01, v2  }
0x144: {  	v29 =	vld [tilespmem:s21+$0xFFFFFF10];
	v8 =	vmul.f32 $1.000000000e+01, v8;
	v20 =	vmul.f32 $1.000000000e+01, v14  }
0x145: {  	v23 =	vld [tilespmem:s21+$0xFFFFFF20];
	v14 =	vmul.f32 $1.000000000e+01, v17;
	v17 =	vmul.f32 $1.000000000e+01, v36  }
0x146: {  	v11 =	vld [tilespmem:s21+$0xFFFFFF30];
	v5 =	vmul.f32 $1.000000000e+01, v5;
	v35 =	vmul.f32 $1.000000000e+01, v13  }
0x147: {  	v62 =	vld [tilespmem:s21+$0xFFFFFF50];
	v13 =	vmul.f32 $1.000000000e+01, v19;
	v4 =	vmul.f32 $1.000000000e+01, v4  }
0x148: {  	v63 =	vmul.f32 $1.000000000e+01, v7;
	v2 =	vmax.f32 v0, v2;
	v3 =	vmul.f32 $1.000000000e+01, v3  }
0x149: {  	v9 =	vsub.f32 v9, v2;
	v16 =	vsub.f32 v16, v2;
	v6 =	vmul.f32 $1.000000000e+01, v6  }
0x14a: {  	v10 =	vsub.f32 v10, v2;
	v37 =	vmul.f32 $1.000000000e+01, v26;
	v29 =	vmul.f32 $1.000000000e+01, v29  }
0x14b: {  	v7 =	vld [tilespmem:s21+$0xFFFFFF60];
	v8 =	vsub.f32 v8, v2;
	v38 =	vmul.f32 $1.000000000e+01, v23;
	v39 =	vmul.f32 $1.000000000e+01, v11  }
0x14c: {  	v26 =	vmul.f32 $1.000000000e+01, v61;
	v23 =	vmul.f32 $1.000000000e+01, v62;
	v11 =	vsub.f32 v15, v2  }
0x14d: {  	v15 =	vsub.f32 v21, v2;
	v4 =	vsub.f32 v4, v2;
	v9 =	vmul.f32 $1.442695020e+00, v9  }
0x14e: {  	v10 =	vmul.f32 $1.442695020e+00, v10;
	v3 =	vsub.f32 v3, v2;
	v21 =	vmul.f32 $1.442695020e+00, v11  }
0x14f: {  	v11 =	vsub.f32 v24, v2;
	v15 =	vmul.f32 $1.442695020e+00, v15;
	v4 =	vmul.f32 $1.442695020e+00, v4  }
0x150: {  	v19 =	vmul.f32 $1.000000000e+01, v7;
	v7 =	vsub.f32 v12, v2;
	v12 =	vsub.f32 v18, v2  }
0x151: {  	v18 =	vsub.f32 v22, v2;
	(erf) = vpow2.f32 v9;
	v3 =	vmul.f32 $1.442695020e+00, v3  }
0x152: {  	v24 =	vsub.f32 v25, v2;
	v7 =	vmul.f32 $1.442695020e+00, v7;
	v22 =	vmul.f32 $1.442695020e+00, v12  }
0x153: {  	v9 =	vsub.f32 v28, v2;
	v18 =	vmul.f32 $1.442695020e+00, v18;
	v12 =	vmul.f32 $1.442695020e+00, v11  }
0x154: {  	v25 =	vsub.f32 v27, v2;
	v11 =	vmul.f32 $1.442695020e+00, v24;
	(erf) = vpow2.f32 v7  }
0x155: {  	v5 =	vsub.f32 v5, v2;
	v9 =	vmul.f32 $1.442695020e+00, v9;
	(erf) = vpow2.f32 v21  }
0x156: {  	v24 =	vsub.f32 v30, v2;
	v7 =	vmul.f32 $1.442695020e+00, v25;
	(erf) = vpow2.f32 v22  }
0x157: {  	v32 =	vsub.f32 v35, v2;
	v25 =	vmul.f32 $1.442695020e+00, v8;
	(erf) = vpow2.f32 v15  }
0x158: {  	v6 =	vsub.f32 v6, v2;
	v21 =	vmul.f32 $1.442695020e+00, v24;
	(erf) = vpow2.f32 v18  }
0x159: {  	v15 =	vmul.f32 $1.442695020e+00, v16;
	v16 =	vsub.f32 v31, v2;
	(erf) = vpow2.f32 v7  }
0x15a: {  	v33 =	vsub.f32 v63, v2;
	v31 =	vmul.f32 $1.442695020e+00, v6;
	(erf) = vpow2.f32 v9  }
0x15b: {  	v8 =	vsub.f32 v29, v2;
	v7 =	vmul.f32 $1.442695020e+00, v16;
	(erf) = vpow2.f32 v21  }
0x15c: {  	v18 =	vpop (erf);
	v21 =	vmul.f32 $1.442695020e+00, v5;
	v5 =	vsub.f32 v37, v2;
	(erf) = vpow2.f32 v15  }
0x15d: {  	v6 =	vimm.f32 $0.0e+00;
	v9 =	vimm.f32 $0.0e+00;
	(erf) = vpow2.f32 v10;
	v22 =	vpop (erf)  }
0x15e: {  	v5 =	vmul.f32 $1.442695020e+00, v5;
	(erf) = vpow2.f32 v7;
	v7 =	vsub.f32 v38, v2;
	v24 =	vpop (erf)  }
0x15f: {  	(erf) = vpow2.f32 v4;
	v4 =	vmul.f32 $1.442695020e+00, v8;
	v8 =	vsub.f32 v39, v2;
	v27 =	vpop (erf)  }
0x160: {  	v10 =	vimm.f32 $0.0e+00;
	(erf) = vpow2.f32 v3;
	v3 =	vmul.f32 $1.442695020e+00, v7;
	v15 =	vpop (erf)  }
0x161: {  	v7 =	vimm.f32 $0.0e+00;
	(erf) = vpow2.f32 v5;
	v30 =	vmul.f32 $1.442695020e+00, v8;
	v16 =	vpop (erf)  }
0x162: {  	v8 =	vimm.f32 $0.0e+00;
	v5 =	vimm.f32 $0.0e+00;
	(erf) = vpow2.f32 v4;
	v28 =	vpop (erf)  }
0x163: {  	s22 =	simm.s32 $0x8300;
	s21 =	simm.s32 $0x0;
	v4 =	vimm.f32 $0.0e+00;
	(erf) = vpow2.f32 v3;
	v29 =	vpop (erf);
	v3 =	vimm.f32 $0.0e+00  }
.LBB2_9:
0x164: {  	v34 =	vld [tilespmem:s22+$0x80];
	v37 =	vmul.f32 $1.442695020e+00, v33;
	v20 =	vsub.f32 v20, v2;
	(erf) = vpow2.f32 v30;
	v30 =	vpop (erf)  }
0x165: {  	v26 =	vsub.f32 v26, v2;
	v35 =	vld [tilespmem:s22+$0x90];
	v38 =	vmul.f32 $1.442695020e+00, v32;
	(erf) = vpow2.f32 v31;
	v31 =	vpop (erf)  }
0x166: {  	v23 =	vsub.f32 v23, v2;
	v36 =	vld [tilespmem:s22+$0xA0];
	v20 =	vmul.f32 $1.442695020e+00, v20;
	(erf) = vpow2.f32 v37;
	v33 =	vpop (erf)  }
0x167: {  	v19 =	vsub.f32 v19, v2;
	v40 =	vmul.f32 $1.442695020e+00, v26;
	v37 =	vld [tilespmem:s22+$0xB0];
	(erf) = vpow2.f32 v38;
	v32 =	vpop (erf)  }
0x168: {  	v17 =	vsub.f32 v17, v2;
	v23 =	vmul.f32 $1.442695020e+00, v23;
	v38 =	vld [tilespmem:s22+$0xC0];
	v39 =	vpop (erf);
	(erf) = vpow2.f32 v20  }
0x169: {  	v14 =	vsub.f32 v14, v2;
	v19 =	vmul.f32 $1.442695020e+00, v19;
	v20 =	vld [tilespmem:s22+$0xD0];
	(erf) = vpow2.f32 v40;
	v26 =	vpop (erf)  }
0x16a: {  	v13 =	vsub.f32 v13, v2;
	v17 =	vmul.f32 $1.442695020e+00, v17;
	v40 =	vld [tilespmem:s22+$0xE0];
	v41 =	vpop (erf);
	(erf) = vpow2.f32 v23  }
0x16b: {  	v14 =	vmul.f32 $1.442695020e+00, v14;
	v23 =	vld [tilespmem:s22+$0xF0];
	v42 =	vpop (erf);
	(erf) = vpow2.f32 v19  }
0x16c: {  	v13 =	vmul.f32 $1.442695020e+00, v13;
	v19 =	vld [tilespmem:s22+$0x0];
	v43 =	vpop (erf);
	(erf) = vpow2.f32 v17  }
0x16d: {  	v7 =	vadd.f32 v41, v7;
	v10 =	vadd.f32 v42, v10;
	v17 =	vld [tilespmem:s22+$0x10];
	v41 =	vpop (erf);
	(erf) = vpow2.f32 v14  }
0x16e: {  	v8 =	vadd.f32 v43, v8;
	v14 =	vld [tilespmem:s22+$0x20];
	v9 =	vadd.f32 v41, v9;
	v41 =	vpop (erf);
	(erf) = vpow2.f32 v13  }
0x16f: {  	v7 =	vadd.f32 v39, v7;
	v10 =	vadd.f32 v26, v10;
	v13 =	vld [tilespmem:s22+$0x30];
	v26 =	vpop (erf);
	(erf) = vpow2.f32 v25  }
0x170: {  	v8 =	vadd.f32 v41, v8;
	v25 =	vld [tilespmem:s22+$0x40];
	v9 =	vadd.f32 v26, v9;
	v26 =	vpop (erf);
	(erf) = vpow2.f32 v21  }
0x171: {  	v7 =	vadd.f32 v28, v7;
	v10 =	vadd.f32 v29, v10;
	v21 =	vld [tilespmem:s22+$0x50];
	v28 =	vpop (erf);
	(erf) = vpow2.f32 v12  }
0x172: {  	v8 =	vadd.f32 v30, v8;
	v12 =	vld [tilespmem:s22+$0x60];
	v9 =	vadd.f32 v31, v9;
	v29 =	vpop (erf);
	(erf) = vpow2.f32 v11  }
0x173: {  	v30 =	vmul.f32 $1.000000000e+01, v34;
	v7 =	vadd.f32 v18, v7;
	v10 =	vadd.f32 v22, v10;
	v11 =	vld [tilespmem:s22+$0x70];
	v18 =	vpop (erf)  }
0x174: {  	v31 =	vmul.f32 $1.000000000e+01, v35;
	v8 =	vadd.f32 v24, v8;
	v22 =	vld [tilespmem:s22+$0xFFFFFF80];
	v9 =	vadd.f32 v27, v9;
	v24 =	vpop (erf)  }
0x175: {  	v34 =	vmul.f32 $1.000000000e+01, v36;
	v4 =	vadd.f32 v29, v4;
	v5 =	vadd.f32 v18, v5;
	v27 =	vld [tilespmem:s22+$0xFFFFFF90];
	v18 =	vpop (erf)  }
0x176: {  	v35 =	vmul.f32 $1.000000000e+01, v37;
	v6 =	vadd.f32 v24, v6;
	v29 =	vld [tilespmem:s22+$0xFFFFFFA0];
	v3 =	vadd.f32 v18, v3;
	v18 =	vpop (erf)  }
0x177: {  	v36 =	vmul.f32 $1.000000000e+01, v38;
	v4 =	vadd.f32 v26, v4;
	v5 =	vadd.f32 v28, v5;
	v24 =	vld [tilespmem:s22+$0xFFFFFFB0];
	v26 =	vpop (erf)  }
0x178: {  	v37 =	vmul.f32 $1.000000000e+01, v20;
	v6 =	vadd.f32 v18, v6;
	v28 =	vld [tilespmem:s22+$0xFFFFFFC0];
	v3 =	vadd.f32 v26, v3;
	v18 =	vpop (erf)  }
0x179: {  	v38 =	vmul.f32 $1.000000000e+01, v40;
	v4 =	vadd.f32 v33, v4;
	v5 =	vadd.f32 v32, v5;
	v20 =	vld [tilespmem:s22+$0xFFFFFFD0];
	v26 =	vpop (erf)  }
0x17a: {  	v33 =	vmul.f32 $1.000000000e+01, v23;
	v6 =	vadd.f32 v18, v6;
	v32 =	vld [tilespmem:s22+$0xFFFFFFE0];
	v3 =	vadd.f32 v26, v3;
	v18 =	vpop (erf)  }
0x17b: {  	v39 =	vmul.f32 $1.000000000e+01, v19;
	v4 =	vadd.f32 v15, v4;
	v5 =	vadd.f32 v16, v5;
	v23 =	vld [tilespmem:s22+$0xFFFFFFF0];
	v15 =	vpop (erf)  }
0x17c: {  	v40 =	vmul.f32 $1.000000000e+01, v17;
	v6 =	vadd.f32 v18, v6;
	v16 =	vld [tilespmem:s22+$0xFFFFFF00];
	v3 =	vadd.f32 v15, v3  }
0x17d: {  	v41 =	vmul.f32 $1.000000000e+01, v13;
	v18 =	vmul.f32 $1.000000000e+01, v14;
	v15 =	vld [tilespmem:s22+$0xFFFFFF10]  }
0x17e: {  	v25 =	vmul.f32 $1.000000000e+01, v25;
	v21 =	vmul.f32 $1.000000000e+01, v21;
	v17 =	vld [tilespmem:s22+$0xFFFFFF20]  }
0x17f: {  	v42 =	vmul.f32 $1.000000000e+01, v12;
	v43 =	vmul.f32 $1.000000000e+01, v11;
	v19 =	vld [tilespmem:s22+$0xFFFFFF30]  }
0x180: {  	v22 =	vmul.f32 $1.000000000e+01, v22;
	v27 =	vmul.f32 $1.000000000e+01, v27;
	v11 =	vld [tilespmem:s22+$0xFFFFFF40]  }
0x181: {  	v29 =	vmul.f32 $1.000000000e+01, v29;
	v44 =	vmul.f32 $1.000000000e+01, v24;
	v12 =	vld [tilespmem:s22+$0xFFFFFF50]  }
0x182: {  	v45 =	vmul.f32 $1.000000000e+01, v28;
	v20 =	vmul.f32 $1.000000000e+01, v20;
	v24 =	vld [tilespmem:s22+$0xFFFFFF60]  }
0x183: {  	v14 =	vmul.f32 $1.000000000e+01, v32;
	v13 =	vmul.f32 $1.000000000e+01, v23;
	v28 =	vld [tilespmem:s22+$0xFFFFFF70]  }
0x184: {  	v16 =	vmul.f32 $1.000000000e+01, v16;
	v15 =	vmul.f32 $1.000000000e+01, v15  }
0x185: {  	v32 =	vmul.f32 $1.000000000e+01, v17;
	v46 =	vmul.f32 $1.000000000e+01, v19  }
0x186: {  	v26 =	vmul.f32 $1.000000000e+01, v11;
	v11 =	vsub.f32 v30, v2;
	v23 =	vmul.f32 $1.000000000e+01, v12  }
0x187: {  	v12 =	vsub.f32 v31, v2;
	v19 =	vmul.f32 $1.000000000e+01, v24;
	v24 =	vsub.f32 v34, v2  }
0x188: {  	v30 =	vsub.f32 v36, v2;
	v17 =	vmul.f32 $1.000000000e+01, v28;
	v28 =	vsub.f32 v35, v2  }
0x189: {  	v11 =	vmul.f32 $1.442695020e+00, v11;
	v31 =	vmul.f32 $1.442695020e+00, v12;
	v12 =	vsub.f32 v37, v2  }
0x18a: {  	v34 =	vsub.f32 v38, v2;
	v24 =	vmul.f32 $1.442695020e+00, v24;
	v28 =	vmul.f32 $1.442695020e+00, v28  }
0x18b: {  	v33 =	vsub.f32 v33, v2;
	v30 =	vmul.f32 $1.442695020e+00, v30;
	v35 =	vmul.f32 $1.442695020e+00, v12  }
0x18c: {  	v36 =	vsub.f32 v39, v2;
	v12 =	vmul.f32 $1.442695020e+00, v34;
	(erf) = vpow2.f32 v11  }
0x18d: {  	v34 =	vsub.f32 v40, v2;
	v11 =	vmul.f32 $1.442695020e+00, v33;
	(erf) = vpow2.f32 v31  }
0x18e: {  	v18 =	vsub.f32 v18, v2;
	v31 =	vmul.f32 $1.442695020e+00, v36;
	(erf) = vpow2.f32 v24  }
0x18f: {  	v33 =	vsub.f32 v41, v2;
	v24 =	vmul.f32 $1.442695020e+00, v34;
	(erf) = vpow2.f32 v28  }
0x190: {  	v25 =	vsub.f32 v25, v2;
	v18 =	vmul.f32 $1.442695020e+00, v18;
	(erf) = vpow2.f32 v30  }
0x191: {  	v21 =	vsub.f32 v21, v2;
	v28 =	vmul.f32 $1.442695020e+00, v33;
	(erf) = vpow2.f32 v35  }
0x192: {  	v30 =	vmul.f32 $1.442695020e+00, v25;
	v25 =	vsub.f32 v42, v2;
	(erf) = vpow2.f32 v31  }
0x193: {  	v31 =	vmul.f32 $1.442695020e+00, v21;
	v21 =	vsub.f32 v43, v2;
	(erf) = vpow2.f32 v24  }
0x194: {  	v33 =	vsub.f32 v22, v2;
	v25 =	vmul.f32 $1.442695020e+00, v25;
	(erf) = vpow2.f32 v18  }
0x195: {  	v34 =	vsub.f32 v27, v2;
	v21 =	vmul.f32 $1.442695020e+00, v21;
	(erf) = vpow2.f32 v28;
	v18 =	vpop (erf)  }
0x196: {  	s21 =	sadd.s32 $0x200, s21;
	v16 =	vsub.f32 v16, v2;
	v33 =	vmul.f32 $1.442695020e+00, v33;
	(erf) = vpow2.f32 v30;
	v22 =	vpop (erf)  }
0x197: {  	p0 =	slt.u32 s21, $0x7E00;
	v35 =	vsub.f32 v15, v2;
	v28 =	vmul.f32 $1.442695020e+00, v34;
	(erf) = vpow2.f32 v31;
	v24 =	vpop (erf)  }
.Ltmp3:
0x198: {  	v36 =	vmul.f32 $1.442695020e+00, v16;
	v30 =	vsub.f32 v32, v2;
	(erf) = vpow2.f32 v33;
	v27 =	vpop (erf);
	(pc) =	sbr.rel @p0 .LBB2_9-.Ltmp3, $4  }
0x199: {  	v32 =	vsub.f32 v46, v2;
	v31 =	vmul.f32 $1.442695020e+00, v35;
	(erf) = vpow2.f32 v28;
	v15 =	vpop (erf)  }
0x19a: {  	v35 =	vsub.f32 v29, v2;
	v34 =	vmul.f32 $1.442695020e+00, v30;
	(erf) = vpow2.f32 v36;
	v16 =	vpop (erf)  }
0x19b: {  	v30 =	vmul.f32 $1.442695020e+00, v32;
	v33 =	vsub.f32 v44, v2;
	(erf) = vpow2.f32 v31;
	v28 =	vpop (erf)  }
0x19c: {  	s22 =	sadd.s32 $0x200, s22;
	v32 =	vsub.f32 v45, v2;
	v31 =	vmul.f32 $1.442695020e+00, v35;
	(erf) = vpow2.f32 v34;
	v29 =	vpop (erf)  }
0x19d: {  	v33 =	vmul.f32 $1.442695020e+00, v33;
	(erf) = vpow2.f32 v30;
	v39 =	vpop (erf)  }
0x19e: {  	v20 =	vsub.f32 v20, v2;
	(erf) = vpow2.f32 v31;
	v40 =	vpop (erf)  }
0x19f: {  	v26 =	vsub.f32 v26, v2;
	v32 =	vmul.f32 $1.442695020e+00, v32;
	(erf) = vpow2.f32 v33;
	v41 =	vpop (erf)  }
0x1a0: {  	v23 =	vsub.f32 v23, v2;
	v20 =	vmul.f32 $1.442695020e+00, v20;
	v34 =	vpop (erf)  }
0x1a1: {  	v19 =	vsub.f32 v19, v2;
	v26 =	vmul.f32 $1.442695020e+00, v26;
	(erf) = vpow2.f32 v32;
	v42 =	vpop (erf)  }
0x1a2: {  	v17 =	vsub.f32 v17, v2;
	v23 =	vmul.f32 $1.442695020e+00, v23;
	(erf) = vpow2.f32 v20;
	v43 =	vpop (erf)  }
0x1a3: {  	v14 =	vsub.f32 v14, v2;
	v19 =	vmul.f32 $1.442695020e+00, v19;
	(erf) = vpow2.f32 v26;
	v44 =	vpop (erf)  }
0x1a4: {  	v13 =	vsub.f32 v13, v2;
	v0 =	vsub.f32 v0, v2;
	(erf) = vpow2.f32 v23;
	v45 =	vpop (erf)  }
0x1a5: {  	v17 =	vmul.f32 $1.442695020e+00, v17;
	(erf) = vpow2.f32 v19;
	v7 =	vadd.f32 v44, v7;
	v46 =	vpop (erf)  }
0x1a6: {  	v14 =	vmul.f32 $1.442695020e+00, v14;
	v10 =	vadd.f32 v45, v10;
	v47 =	vpop (erf);
	v8 =	vadd.f32 v46, v8  }
0x1a7: {  	(erf) = vpow2.f32 v17;
	v7 =	vadd.f32 v42, v7;
	v9 =	vadd.f32 v47, v9;
	v48 =	vpop (erf)  }
0x1a8: {  	v13 =	vmul.f32 $1.442695020e+00, v13;
	v10 =	vadd.f32 v43, v10;
	v49 =	vpop (erf);
	v8 =	vadd.f32 v48, v8  }
0x1a9: {  	(erf) = vpow2.f32 v14;
	v7 =	vadd.f32 v28, v7;
	v9 =	vadd.f32 v49, v9  }
0x1aa: {  	(erf) = vpow2.f32 v13;
	v50 =	vpop (erf);
	v10 =	vadd.f32 v29, v10;
	v8 =	vadd.f32 v39, v8  }
0x1ab: {  	(erf) = vpow2.f32 v25;
	v51 =	vpop (erf);
	v7 =	vadd.f32 v18, v7;
	v9 =	vadd.f32 v40, v9  }
0x1ac: {  	v52 =	vpop (erf);
	v10 =	vadd.f32 v22, v10;
	(erf) = vpow2.f32 v21;
	v8 =	vadd.f32 v24, v8  }
0x1ad: {  	v53 =	vpop (erf);
	(erf) = vpow2.f32 v12;
	v4 =	vadd.f32 v52, v4;
	v9 =	vadd.f32 v27, v9  }
0x1ae: {  	v0 =	vmul.f32 $1.442695020e+00, v0;
	v54 =	vpop (erf);
	v5 =	vadd.f32 v53, v5;
	v7 =	vadd.f32 v10, v7  }
0x1af: {  	(erf) = vpow2.f32 v11;
	v6 =	vadd.f32 v54, v6;
	v4 =	vadd.f32 v50, v4  }
0x1b0: {  	v55 =	vpop (erf);
	v5 =	vadd.f32 v51, v5;
	v7 =	vadd.f32 v8, v7  }
0x1b1: {  	(erf) = vpow2.f32 v0;
	v3 =	vadd.f32 v55, v3;
	v4 =	vadd.f32 v41, v4  }
0x1b2: {  	v56 =	vpop (erf);
	v5 =	vadd.f32 v34, v5;
	v7 =	vadd.f32 v9, v7  }
0x1b3: {  	v57 =	vpop (erf);
	v6 =	vadd.f32 v56, v6;
	v4 =	vadd.f32 v15, v4  }
0x1b4: {  	v58 =	vpop (erf);
	v0 =	vadd.f32 v57, v3;
	v5 =	vadd.f32 v16, v5  }
0x1b5: {  	v59 =	vadd.f32 v58, v6;
	v60 =	vpop (erf);
	v4 =	vadd.f32 v4, v7  }
0x1b6: {  	v0 =	vadd.f32 v60, v0;
	v61 =	vpop (erf)  }
0x1b7: {  	v3 =	vadd.f32 v61, v59;
	v4 =	vadd.f32 v5, v4  }
0x1b8: {  	v62 =	vpop (erf)  }
0x1b9: {  	v0 =	vadd.f32 v62, v0;
	v3 =	vadd.f32 v3, v4  }
0x1ba: {  	p0 =	sne.s32 s20, $0x30;
	v63 =	vpop (erf)  }
.Ltmp4:
0x1bb: {  	v1 =	vmul.f32 v63, v1;
	v0 =	vadd.f32 v0, v3;
	(pc) =	sbr.rel @p0 .LBB2_2-.Ltmp4, $4  }
0x1bc: {  	_ = 	snop  }
0x1bd: {  	s19 =	sshll.u32 s19, $0x7;
	v0 =	vadd.f32 v0, v1  }
0x1be: {  	[tilespmem:s19+$0x10000] =	vst v2  }
0x1bf: {  	[tilespmem:s19+$0x11800] =	vst v0;
	s19 =	smov.u32 s20  }
0x1c0: {  	[hbm4b:s7+s3] =	stream.linear.scatter [tilespmem:s15], [sflag:$0x3], $0x1800, $0x38;
	[tilespmem:$0x13000] =	vst v63  }
0x1c1: {  	s18 =	sadd.s32 $0x1, s18;
	_ =	swait.ge [sflag:s16], $0x1800  }
0x1c2: {  	p0 =	sne.s32 s18, s9;
	[sflag:s16] =	ssyncset.done $0x0  }
.Ltmp5:
0x1c3: {  	[sflag:s16] =	ssyncadd.s32 $0xFFFFE800;
	(pc) =	sbr.rel @p0 .LBB2_1-.Ltmp5, $4  }
0x1c4: {  	[hbm4b:s8+s3] =	stream.linear.scatter [tilespmem:s17], [sflag:$0x3], $0x1800, $0x38;
	[tilespmem:$0x13000] =	vst v63  }
0x1c5: {  	_ =	swait.ge [sflag:s16], $0x1800  }
0x1c6: {  	[sflag:s16] =	ssyncset.done $0x0  }
0x1c7: {  	[sflag:s16] =	ssyncadd.s32 $0xFFFFE800  }
0x1c8: {  	_ =	sfence.sel $0x180000  }
0x1c9: {  	[bflag:$0x0] =	sbarrier.arrive $0xFFFF  }
0x1ca: {  	p0 =	sne.s32 s0, $0x0;
	_ =	strace $0x90000047  }
0x1cb: {  	s0 =	sadd.s32 @!p0 $0x100000, s1;
	[bflag:$0x2] =	sbarrier.arrive $0xFFFF  }
0x1cc: {  	[sflag:s0] =	ssyncadd.tile.s32 @!p0 $0x1;
	_ =	shalt  }
.Lfunc_end2:
_tile_overlayer_lowered:
.L_overlay_start_2:
0x1cd: {  	(tag) =	ssettag $0x2  }
0x1ce: {  	s0 =	rddreg [dreg:$0x0];
	s2 =	stileid.u32  }
0x1cf: {  	s1 =	rddreg [dreg:$0x1];
	p0 =	sne.s32 s2, $0x0  }
0x1d0: {  	s3 =	rddreg [dreg:$0x2];
	[bflag:$0x3] =	sbarrier.arrive $0xFFFF;
	s2 =	simm.s32 @!p0 $0x1C03  }
0x1d1: {  	[timem:s3], [sflag:s2] =	dma.local @!p0 [hbm:s0], s1  }
0x1d2: {  	s0 =	simm.s32 @!p0 $0x3  }
0x1d3: {  	_ =	swait.ge @!p0 [sflag:s0], s1  }
0x1d4: {  	s1 =	ssub.s32 @!p0 $0x0, s1;
	[sflag:s0] =	ssyncset.done @!p0 $0x0  }
0x1d5: {  	[sflag:s0] =	ssyncadd.s32 @!p0 s1  }
0x1d6: {  	[bflag:$0x3] =	sbarrier.arrive $0xFFFF  }
0x1d7: {  	_ =	shalt  }

</sc_bundles>
